<compile_context>
chip_gen: v7x
topology: tpu7x:2x2x1
jax: 0.10.2.dev20260603
libtpu: 0.0.44.dev20260713+nightly
codegen_flags: <defaults>
</compile_context>

<pallas_src>
import functools

import jax
import jax.numpy as jnp
from jax import lax
from jax.experimental import pallas as pl
from jax.experimental.pallas import tpu as pltpu
from jax.experimental.pallas import tpu_sc as plsc

H, C, E = 8, 1024, 64
B, T, D = 16, 512, 256
N = B * D


_BB = 8


def _vq_tc_body(emb_ref, x_ref, sqn_ref, ind_ref):
    emb = emb_ref[0]
    emb2 = emb + emb
    sq_c = jnp.sum(emb * emb, axis=1, keepdims=True)
    iota = lax.broadcasted_iota(jnp.int32, (C, 1), 0).astype(jnp.float32)
    for i in range(_BB):
        xb = x_ref[i]
        cross2 = lax.dot_general(
            emb2, xb, (((1,), (0,)), ((), ())),
            preferred_element_type=jnp.float32)
        sq_n = sqn_ref[0, i]
        d2 = (sq_n - cross2) + sq_c
        d2 = jnp.sqrt(jnp.maximum(d2, 0.0))
        m = jnp.min(d2, axis=0, keepdims=True)
        idx = jnp.min(jnp.where(d2 == m, iota, jnp.float32(C)), axis=0)
        ind_ref[0, i, 0, :] = idx.astype(jnp.int32)


def _compute_indices(x, key_embed, sq_n):
    return pl.pallas_call(
        _vq_tc_body,
        grid=(H, B // _BB),
        in_specs=[
            pl.BlockSpec((1, C, E), lambda h, b: (h, 0, 0)),
            pl.BlockSpec((_BB, E, D), lambda h, b: (b, h, 0)),
            pl.BlockSpec((1, _BB, 1, D), lambda h, b: (h, b, 0, 0)),
        ],
        out_specs=pl.BlockSpec((1, _BB, 1, D), lambda h, b: (h, b, 0, 0)),
        out_shape=jax.ShapeDtypeStruct((H, B, 1, D), jnp.int32),
        compiler_params=pltpu.CompilerParams(
            dimension_semantics=("parallel", "parallel")),
    )(key_embed, x, sq_n)


_ROWS = H * N
_CHUNK = 128


def _gather_rows(table, idx):
    info = plsc.get_sparse_core_info()
    nw = info.num_cores * info.num_subcores
    rows_per_w = _ROWS // nw
    n_ch = rows_per_w // _CHUNK
    mesh = plsc.VectorSubcoreMesh(core_axis_name="c", subcore_axis_name="s")

    @functools.partial(
        pl.kernel, mesh=mesh,
        out_type=jax.ShapeDtypeStruct((_ROWS, E), jnp.float32),
        compiler_params=pltpu.CompilerParams(use_tc_tiling_on_sc=False),
        scratch_types=[
            pltpu.VMEM((n_ch, _CHUNK), jnp.int32),
            pltpu.VMEM((rows_per_w, E), jnp.float32),
            pltpu.SemaphoreType.DMA,
        ],
    )
    def gk(table_hbm, idx_hbm, out_hbm, idx_v, rows_v, sem):
        wid = lax.axis_index("s") * info.num_cores + lax.axis_index("c")
        pltpu.sync_copy(idx_hbm.at[wid], idx_v)
        cps = [
            pltpu.async_copy(table_hbm.at[idx_v.at[j]],
                             rows_v.at[pl.ds(j * _CHUNK, _CHUNK)], sem)
            for j in range(n_ch)
        ]
        for cp in cps:
            cp.wait()
        pltpu.sync_copy(rows_v, out_hbm.at[pl.ds(wid * rows_per_w, rows_per_w)])

    return gk(table, idx.reshape(nw, n_ch, _CHUNK))


def kernel(x, key_embed, key_optim):
    x = x.astype(jnp.float32)
    sq_n = (jnp.sum(x.reshape(B, H, E, D) ** 2, axis=2)
            .transpose(1, 0, 2).reshape(H, B, 1, D))
    ind_hb = _compute_indices(x, key_embed, sq_n).reshape(H, N)
    ind_nb = ind_hb.T
    emb_ind = ind_nb.reshape(B, D, H)
    offs = (jnp.arange(H, dtype=jnp.int32) * C)[None, :]
    flat_idx = (ind_nb + offs).reshape(-1)
    rows = _gather_rows(key_embed.reshape(H * C, E), flat_idx)
    quantized = rows.reshape(B, D, H * E)
    return quantized, emb_ind

# --- scband reference (transcript-rebuilt; emitter-appended) ---
"""Pipeline reference for scband-vector-quantize-78743930404913 (READ-ONLY COPY).

The authoritative reference and input builder live on the scoring server;
editing this copy changes nothing except your own understanding.
"""

import jax, jax.numpy as jnp
import numpy as np


def _forward(x, key_embed):
    x = x.astype(jnp.float32)
    h, c, t = key_embed.shape
    b, T, d = x.shape
    # rearrange 'b t d -> b d t'
    x = jnp.transpose(x, (0, 2, 1))
    # rearrange 'b d (h t) -> h b d t'
    x = x.reshape(b, d, h, T // h)
    x = jnp.transpose(x, (2, 0, 1, 3))  # (h, b, d, t)
    # rearrange 'h ... t -> h (...) t'
    flatten = x.reshape(h, b * d, T // h)
    # dist = -torch.cdist(flatten, emb, p=2)
    sq_n = jnp.sum(flatten ** 2, axis=-1, keepdims=True)          # (h, n, 1)
    sq_c = jnp.sum(key_embed ** 2, axis=-1)[:, None, :]           # (h, 1, c)
    cross = jnp.einsum('hnt,hct->hnc', flatten, key_embed)        # (h, n, c)
    dist = -jnp.sqrt(jnp.maximum(sq_n - 2.0 * cross + sq_c, 0.0))
    emb_ind = jnp.argmax(dist, axis=-1)                            # (h, b*d)
    emb_ind = emb_ind.reshape(h, b, d)
    # collect_embeddings: quantized[h, b, d, :] = key_embed[h, emb_ind[h, b, d], :]
    quantized = key_embed[jnp.arange(h)[:, None, None], emb_ind]   # (h, b, d, t)
    # rearrange 'h b d t -> b d (h t)'
    quantized = jnp.transpose(quantized, (1, 2, 0, 3)).reshape(b, d, h * (T // h))
    # rearrange 'h b n -> b n h'
    emb_ind_out = jnp.transpose(emb_ind, (1, 2, 0))
    return quantized, emb_ind_out


def setup_inputs(seed: int = 0):
    key = jax.random.key(seed)
    k1, k2 = jax.random.split(key)
    x = jax.random.normal(k1, (16, 512, 256), dtype=jnp.float32)
    # kaiming_uniform_ on (8, 1024, 64): fan_in = 1024*64, a=sqrt(5)
    fan_in = 1024 * 64
    gain = np.sqrt(2.0 / 6.0)
    bound = np.sqrt(3.0) * gain / np.sqrt(fan_in)
    key_embed = jax.random.uniform(k2, (8, 1024, 64), minval=-bound, maxval=bound, dtype=jnp.float32)
    return {"x": x, "key_embed": key_embed, "key_optim": 0}


def reference(x, key_embed, key_optim):
    quantized, emb_ind = _forward(x, key_embed)
    quantized, emb_ind = jax.lax.cond(
        key_optim != 0,
        # EMA codebook update is an in-place buffer mutation in torch; key_optim=0
        # in setup_inputs so this branch is not taken (stateless reference).
        lambda q, e: (q, e),
        lambda q, e: (q, e),
        quantized, emb_ind,
    )
    return quantized, emb_ind

if __name__ == "__main__":
    import jax
    _d = setup_inputs()
    print(jax.jit(kernel)(*tuple(_d.values())))

</pallas_src>

<mosaic_0001>
#map = affine_map<(d0, d1) -> (0, 0)>
#map1 = affine_map<(d0, d1) -> (0, 0, 0)>
module attributes {stable_mosaic.version = 14 : i64} {
  func.func @gk(%arg0: i32, %arg1: i32, %arg2: memref<8192x64xf32, #tpu.memory_space<hbm>>, %arg3: memref<32x8x128xi32, #tpu.memory_space<hbm>>, %arg4: memref<32768x64xf32, #tpu.memory_space<hbm>>, %arg5: memref<8x128xi32, #tpu.memory_space<vmem>>, %arg6: memref<1024x64xf32, #tpu.memory_space<vmem>>, %arg7: memref<!tpu.dma_semaphore, #tpu.memory_space<semaphore_mem>>) attributes {dimension_semantics = [#tpu.dimension_semantics<core_parallel>, #tpu.dimension_semantics<subcore_parallel>], iteration_bounds = array<i64: 2, 16>, scalar_prefetch = 0 : i64, scratch_operands = 3 : i64, tpu.core_type = #tpu.core_type<sc_vector_subcore>, window_params = [{transform_indices = #map}, {transform_indices = #map1}, {transform_indices = #map}]} {
    %mul3A = arith.constant 2 : i32
    %mul3A_0 = arith.muli %arg1, %mul3A : i32
    %add3A = arith.addi %mul3A_0, %arg0 : i32
    "tpu.region"() ({
      %run_scoped3A = tpu.sem_alloc : memref<!tpu.dma_semaphore, #tpu.memory_space<semaphore_mem>>
      %dma_start3A_161 = arith.constant 0 : i32
      %dma_start3A_162 = arith.constant 0 : i32
      %dma_start3A_163 = tpu.memref_slice %arg3[%add3A, %dma_start3A_161, %dma_start3A_162] : memref<32x8x128xi32, #tpu.memory_space<hbm>> -> memref<1x8x128xi32, #tpu.memory_space<hbm>>
      %dma_start3A_164 = tpu.memref_squeeze %dma_start3A_163 : memref<1x8x128xi32, #tpu.memory_space<hbm>> -> memref<8x128xi32, #tpu.memory_space<hbm>>
      %dma_start3A_165 = arith.constant 0 : i32
      %dma_start3A_166 = arith.constant 0 : i32
      %dma_start3A_167 = tpu.memref_slice %arg3[%add3A, %dma_start3A_165, %dma_start3A_166] : memref<32x8x128xi32, #tpu.memory_space<hbm>> -> memref<1x8x128xi32, #tpu.memory_space<hbm>>
      %dma_start3A_168 = tpu.memref_squeeze %dma_start3A_167 : memref<1x8x128xi32, #tpu.memory_space<hbm>> -> memref<8x128xi32, #tpu.memory_space<hbm>>
      tpu.enqueue_dma source(%dma_start3A_168 : memref<8x128xi32, #tpu.memory_space<hbm>>) target(%arg5 : memref<8x128xi32, #tpu.memory_space<vmem>>) target_semaphore(%run_scoped3A : memref<!tpu.dma_semaphore, #tpu.memory_space<semaphore_mem>>)
      %dma_wait3A_169 = arith.constant 0 : i32
      %dma_wait3A_170 = arith.constant 0 : i32
      %dma_wait3A_171 = tpu.memref_slice %arg3[%add3A, %dma_wait3A_169, %dma_wait3A_170] : memref<32x8x128xi32, #tpu.memory_space<hbm>> -> memref<1x8x128xi32, #tpu.memory_space<hbm>>
      %dma_wait3A_172 = tpu.memref_squeeze %dma_wait3A_171 : memref<1x8x128xi32, #tpu.memory_space<hbm>> -> memref<8x128xi32, #tpu.memory_space<hbm>>
      %dma_wait3A_173 = arith.constant 0 : i32
      %dma_wait3A_174 = arith.constant 0 : i32
      %dma_wait3A_175 = tpu.memref_slice %arg3[%add3A, %dma_wait3A_173, %dma_wait3A_174] : memref<32x8x128xi32, #tpu.memory_space<hbm>> -> memref<1x8x128xi32, #tpu.memory_space<hbm>>
      %dma_wait3A_176 = tpu.memref_squeeze %dma_wait3A_175 : memref<1x8x128xi32, #tpu.memory_space<hbm>> -> memref<8x128xi32, #tpu.memory_space<hbm>>
      tpu.wait_dma2 semaphore(%run_scoped3A : memref<!tpu.dma_semaphore, #tpu.memory_space<semaphore_mem>>) src(%dma_wait3A_176 : memref<8x128xi32, #tpu.memory_space<hbm>>) dst(%arg5 : memref<8x128xi32, #tpu.memory_space<vmem>>)
      tpu.yield
    }) : () -> ()
    %dma_start3A = arith.constant 0 : i32
    %dma_start3A_1 = arith.constant 0 : i32
    %dma_start3A_2 = arith.constant 0 : i32
    %dma_start3A_3 = tpu.memref_slice %arg6[%dma_start3A_1, %dma_start3A_2] : memref<1024x64xf32, #tpu.memory_space<vmem>> -> memref<128x64xf32, #tpu.memory_space<vmem>>
    %dma_start3A_4 = arith.constant 0 : i32
    %dma_start3A_5 = tpu.memref_slice %arg5[%dma_start3A, %dma_start3A_4] : memref<8x128xi32, #tpu.memory_space<vmem>> -> memref<1x128xi32, #tpu.memory_space<vmem>>
    %dma_start3A_6 = tpu.memref_squeeze %dma_start3A_5 : memref<1x128xi32, #tpu.memory_space<vmem>> -> memref<128xi32, #tpu.memory_space<vmem>>
    %dma_start3A_7 = arith.constant 0 : i32
    %dma_start3A_8 = arith.constant 0 : i32
    %dma_start3A_9 = tpu.memref_slice %arg2[%dma_start3A_7, %dma_start3A_8] : memref<8192x64xf32, #tpu.memory_space<hbm>> -> memref<8192x64xf32, #tpu.memory_space<hbm>>
    tpu.enqueue_indirect_dma source(%dma_start3A_9 : memref<8192x64xf32, #tpu.memory_space<hbm>>) target(%dma_start3A_3 : memref<128x64xf32, #tpu.memory_space<vmem>>) offsets(%dma_start3A_6 : memref<128xi32, #tpu.memory_space<vmem>>) semaphore(%arg7 : memref<!tpu.dma_semaphore, #tpu.memory_space<semaphore_mem>>)
    %dma_start3A_10 = arith.constant 1 : i32
    %dma_start3A_11 = arith.constant 128 : i32
    %dma_start3A_12 = arith.constant 0 : i32
    %dma_start3A_13 = tpu.memref_slice %arg6[%dma_start3A_11, %dma_start3A_12] : memref<1024x64xf32, #tpu.memory_space<vmem>> -> memref<128x64xf32, #tpu.memory_space<vmem>>
    %dma_start3A_14 = arith.constant 0 : i32
    %dma_start3A_15 = tpu.memref_slice %arg5[%dma_start3A_10, %dma_start3A_14] : memref<8x128xi32, #tpu.memory_space<vmem>> -> memref<1x128xi32, #tpu.memory_space<vmem>>
    %dma_start3A_16 = tpu.memref_squeeze %dma_start3A_15 : memref<1x128xi32, #tpu.memory_space<vmem>> -> memref<128xi32, #tpu.memory_space<vmem>>
    %dma_start3A_17 = arith.constant 0 : i32
    %dma_start3A_18 = arith.constant 0 : i32
    %dma_start3A_19 = tpu.memref_slice %arg2[%dma_start3A_17, %dma_start3A_18] : memref<8192x64xf32, #tpu.memory_space<hbm>> -> memref<8192x64xf32, #tpu.memory_space<hbm>>
    tpu.enqueue_indirect_dma source(%dma_start3A_19 : memref<8192x64xf32, #tpu.memory_space<hbm>>) target(%dma_start3A_13 : memref<128x64xf32, #tpu.memory_space<vmem>>) offsets(%dma_start3A_16 : memref<128xi32, #tpu.memory_space<vmem>>) semaphore(%arg7 : memref<!tpu.dma_semaphore, #tpu.memory_space<semaphore_mem>>)
    %dma_start3A_20 = arith.constant 2 : i32
    %dma_start3A_21 = arith.constant 256 : i32
    %dma_start3A_22 = arith.constant 0 : i32
    %dma_start3A_23 = tpu.memref_slice %arg6[%dma_start3A_21, %dma_start3A_22] : memref<1024x64xf32, #tpu.memory_space<vmem>> -> memref<128x64xf32, #tpu.memory_space<vmem>>
    %dma_start3A_24 = arith.constant 0 : i32
    %dma_start3A_25 = tpu.memref_slice %arg5[%dma_start3A_20, %dma_start3A_24] : memref<8x128xi32, #tpu.memory_space<vmem>> -> memref<1x128xi32, #tpu.memory_space<vmem>>
    %dma_start3A_26 = tpu.memref_squeeze %dma_start3A_25 : memref<1x128xi32, #tpu.memory_space<vmem>> -> memref<128xi32, #tpu.memory_space<vmem>>
    %dma_start3A_27 = arith.constant 0 : i32
    %dma_start3A_28 = arith.constant 0 : i32
    %dma_start3A_29 = tpu.memref_slice %arg2[%dma_start3A_27, %dma_start3A_28] : memref<8192x64xf32, #tpu.memory_space<hbm>> -> memref<8192x64xf32, #tpu.memory_space<hbm>>
    tpu.enqueue_indirect_dma source(%dma_start3A_29 : memref<8192x64xf32, #tpu.memory_space<hbm>>) target(%dma_start3A_23 : memref<128x64xf32, #tpu.memory_space<vmem>>) offsets(%dma_start3A_26 : memref<128xi32, #tpu.memory_space<vmem>>) semaphore(%arg7 : memref<!tpu.dma_semaphore, #tpu.memory_space<semaphore_mem>>)
    %dma_start3A_30 = arith.constant 3 : i32
    %dma_start3A_31 = arith.constant 384 : i32
    %dma_start3A_32 = arith.constant 0 : i32
    %dma_start3A_33 = tpu.memref_slice %arg6[%dma_start3A_31, %dma_start3A_32] : memref<1024x64xf32, #tpu.memory_space<vmem>> -> memref<128x64xf32, #tpu.memory_space<vmem>>
    %dma_start3A_34 = arith.constant 0 : i32
    %dma_start3A_35 = tpu.memref_slice %arg5[%dma_start3A_30, %dma_start3A_34] : memref<8x128xi32, #tpu.memory_space<vmem>> -> memref<1x128xi32, #tpu.memory_space<vmem>>
    %dma_start3A_36 = tpu.memref_squeeze %dma_start3A_35 : memref<1x128xi32, #tpu.memory_space<vmem>> -> memref<128xi32, #tpu.memory_space<vmem>>
    %dma_start3A_37 = arith.constant 0 : i32
    %dma_start3A_38 = arith.constant 0 : i32
    %dma_start3A_39 = tpu.memref_slice %arg2[%dma_start3A_37, %dma_start3A_38] : memref<8192x64xf32, #tpu.memory_space<hbm>> -> memref<8192x64xf32, #tpu.memory_space<hbm>>
    tpu.enqueue_indirect_dma source(%dma_start3A_39 : memref<8192x64xf32, #tpu.memory_space<hbm>>) target(%dma_start3A_33 : memref<128x64xf32, #tpu.memory_space<vmem>>) offsets(%dma_start3A_36 : memref<128xi32, #tpu.memory_space<vmem>>) semaphore(%arg7 : memref<!tpu.dma_semaphore, #tpu.memory_space<semaphore_mem>>)
    %dma_start3A_40 = arith.constant 4 : i32
    %dma_start3A_41 = arith.constant 512 : i32
    %dma_start3A_42 = arith.constant 0 : i32
    %dma_start3A_43 = tpu.memref_slice %arg6[%dma_start3A_41, %dma_start3A_42] : memref<1024x64xf32, #tpu.memory_space<vmem>> -> memref<128x64xf32, #tpu.memory_space<vmem>>
    %dma_start3A_44 = arith.constant 0 : i32
    %dma_start3A_45 = tpu.memref_slice %arg5[%dma_start3A_40, %dma_start3A_44] : memref<8x128xi32, #tpu.memory_space<vmem>> -> memref<1x128xi32, #tpu.memory_space<vmem>>
    %dma_start3A_46 = tpu.memref_squeeze %dma_start3A_45 : memref<1x128xi32, #tpu.memory_space<vmem>> -> memref<128xi32, #tpu.memory_space<vmem>>
    %dma_start3A_47 = arith.constant 0 : i32
    %dma_start3A_48 = arith.constant 0 : i32
    %dma_start3A_49 = tpu.memref_slice %arg2[%dma_start3A_47, %dma_start3A_48] : memref<8192x64xf32, #tpu.memory_space<hbm>> -> memref<8192x64xf32, #tpu.memory_space<hbm>>
    tpu.enqueue_indirect_dma source(%dma_start3A_49 : memref<8192x64xf32, #tpu.memory_space<hbm>>) target(%dma_start3A_43 : memref<128x64xf32, #tpu.memory_space<vmem>>) offsets(%dma_start3A_46 : memref<128xi32, #tpu.memory_space<vmem>>) semaphore(%arg7 : memref<!tpu.dma_semaphore, #tpu.memory_space<semaphore_mem>>)
    %dma_start3A_50 = arith.constant 5 : i32
    %dma_start3A_51 = arith.constant 640 : i32
    %dma_start3A_52 = arith.constant 0 : i32
    %dma_start3A_53 = tpu.memref_slice %arg6[%dma_start3A_51, %dma_start3A_52] : memref<1024x64xf32, #tpu.memory_space<vmem>> -> memref<128x64xf32, #tpu.memory_space<vmem>>
    %dma_start3A_54 = arith.constant 0 : i32
    %dma_start3A_55 = tpu.memref_slice %arg5[%dma_start3A_50, %dma_start3A_54] : memref<8x128xi32, #tpu.memory_space<vmem>> -> memref<1x128xi32, #tpu.memory_space<vmem>>
    %dma_start3A_56 = tpu.memref_squeeze %dma_start3A_55 : memref<1x128xi32, #tpu.memory_space<vmem>> -> memref<128xi32, #tpu.memory_space<vmem>>
    %dma_start3A_57 = arith.constant 0 : i32
    %dma_start3A_58 = arith.constant 0 : i32
    %dma_start3A_59 = tpu.memref_slice %arg2[%dma_start3A_57, %dma_start3A_58] : memref<8192x64xf32, #tpu.memory_space<hbm>> -> memref<8192x64xf32, #tpu.memory_space<hbm>>
    tpu.enqueue_indirect_dma source(%dma_start3A_59 : memref<8192x64xf32, #tpu.memory_space<hbm>>) target(%dma_start3A_53 : memref<128x64xf32, #tpu.memory_space<vmem>>) offsets(%dma_start3A_56 : memref<128xi32, #tpu.memory_space<vmem>>) semaphore(%arg7 : memref<!tpu.dma_semaphore, #tpu.memory_space<semaphore_mem>>)
    %dma_start3A_60 = arith.constant 6 : i32
    %dma_start3A_61 = arith.constant 768 : i32
    %dma_start3A_62 = arith.constant 0 : i32
    %dma_start3A_63 = tpu.memref_slice %arg6[%dma_start3A_61, %dma_start3A_62] : memref<1024x64xf32, #tpu.memory_space<vmem>> -> memref<128x64xf32, #tpu.memory_space<vmem>>
    %dma_start3A_64 = arith.constant 0 : i32
    %dma_start3A_65 = tpu.memref_slice %arg5[%dma_start3A_60, %dma_start3A_64] : memref<8x128xi32, #tpu.memory_space<vmem>> -> memref<1x128xi32, #tpu.memory_space<vmem>>
    %dma_start3A_66 = tpu.memref_squeeze %dma_start3A_65 : memref<1x128xi32, #tpu.memory_space<vmem>> -> memref<128xi32, #tpu.memory_space<vmem>>
    %dma_start3A_67 = arith.constant 0 : i32
    %dma_start3A_68 = arith.constant 0 : i32
    %dma_start3A_69 = tpu.memref_slice %arg2[%dma_start3A_67, %dma_start3A_68] : memref<8192x64xf32, #tpu.memory_space<hbm>> -> memref<8192x64xf32, #tpu.memory_space<hbm>>
    tpu.enqueue_indirect_dma source(%dma_start3A_69 : memref<8192x64xf32, #tpu.memory_space<hbm>>) target(%dma_start3A_63 : memref<128x64xf32, #tpu.memory_space<vmem>>) offsets(%dma_start3A_66 : memref<128xi32, #tpu.memory_space<vmem>>) semaphore(%arg7 : memref<!tpu.dma_semaphore, #tpu.memory_space<semaphore_mem>>)
    %dma_start3A_70 = arith.constant 7 : i32
    %dma_start3A_71 = arith.constant 896 : i32
    %dma_start3A_72 = arith.constant 0 : i32
    %dma_start3A_73 = tpu.memref_slice %arg6[%dma_start3A_71, %dma_start3A_72] : memref<1024x64xf32, #tpu.memory_space<vmem>> -> memref<128x64xf32, #tpu.memory_space<vmem>>
    %dma_start3A_74 = arith.constant 0 : i32
    %dma_start3A_75 = tpu.memref_slice %arg5[%dma_start3A_70, %dma_start3A_74] : memref<8x128xi32, #tpu.memory_space<vmem>> -> memref<1x128xi32, #tpu.memory_space<vmem>>
    %dma_start3A_76 = tpu.memref_squeeze %dma_start3A_75 : memref<1x128xi32, #tpu.memory_space<vmem>> -> memref<128xi32, #tpu.memory_space<vmem>>
    %dma_start3A_77 = arith.constant 0 : i32
    %dma_start3A_78 = arith.constant 0 : i32
    %dma_start3A_79 = tpu.memref_slice %arg2[%dma_start3A_77, %dma_start3A_78] : memref<8192x64xf32, #tpu.memory_space<hbm>> -> memref<8192x64xf32, #tpu.memory_space<hbm>>
    tpu.enqueue_indirect_dma source(%dma_start3A_79 : memref<8192x64xf32, #tpu.memory_space<hbm>>) target(%dma_start3A_73 : memref<128x64xf32, #tpu.memory_space<vmem>>) offsets(%dma_start3A_76 : memref<128xi32, #tpu.memory_space<vmem>>) semaphore(%arg7 : memref<!tpu.dma_semaphore, #tpu.memory_space<semaphore_mem>>)
    %dma_wait3A = arith.constant 0 : i32
    %dma_wait3A_80 = arith.constant 0 : i32
    %dma_wait3A_81 = arith.constant 0 : i32
    %dma_wait3A_82 = tpu.memref_slice %arg6[%dma_wait3A_80, %dma_wait3A_81] : memref<1024x64xf32, #tpu.memory_space<vmem>> -> memref<128x64xf32, #tpu.memory_space<vmem>>
    %dma_wait3A_83 = arith.constant 0 : i32
    %dma_wait3A_84 = tpu.memref_slice %arg5[%dma_wait3A, %dma_wait3A_83] : memref<8x128xi32, #tpu.memory_space<vmem>> -> memref<1x128xi32, #tpu.memory_space<vmem>>
    %dma_wait3A_85 = tpu.memref_squeeze %dma_wait3A_84 : memref<1x128xi32, #tpu.memory_space<vmem>> -> memref<128xi32, #tpu.memory_space<vmem>>
    %dma_wait3A_86 = arith.constant 0 : i32
    %dma_wait3A_87 = arith.constant 0 : i32
    %dma_wait3A_88 = tpu.memref_slice %arg2[%dma_wait3A_86, %dma_wait3A_87] : memref<8192x64xf32, #tpu.memory_space<hbm>> -> memref<8192x64xf32, #tpu.memory_space<hbm>>
    tpu.wait_indirect_dma semaphore(%arg7 : memref<!tpu.dma_semaphore, #tpu.memory_space<semaphore_mem>>) src(%dma_wait3A_88 : memref<8192x64xf32, #tpu.memory_space<hbm>>) dst(%dma_wait3A_82 : memref<128x64xf32, #tpu.memory_space<vmem>>)
    %dma_wait3A_89 = arith.constant 1 : i32
    %dma_wait3A_90 = arith.constant 128 : i32
    %dma_wait3A_91 = arith.constant 0 : i32
    %dma_wait3A_92 = tpu.memref_slice %arg6[%dma_wait3A_90, %dma_wait3A_91] : memref<1024x64xf32, #tpu.memory_space<vmem>> -> memref<128x64xf32, #tpu.memory_space<vmem>>
    %dma_wait3A_93 = arith.constant 0 : i32
    %dma_wait3A_94 = tpu.memref_slice %arg5[%dma_wait3A_89, %dma_wait3A_93] : memref<8x128xi32, #tpu.memory_space<vmem>> -> memref<1x128xi32, #tpu.memory_space<vmem>>
    %dma_wait3A_95 = tpu.memref_squeeze %dma_wait3A_94 : memref<1x128xi32, #tpu.memory_space<vmem>> -> memref<128xi32, #tpu.memory_space<vmem>>
    %dma_wait3A_96 = arith.constant 0 : i32
    %dma_wait3A_97 = arith.constant 0 : i32
    %dma_wait3A_98 = tpu.memref_slice %arg2[%dma_wait3A_96, %dma_wait3A_97] : memref<8192x64xf32, #tpu.memory_space<hbm>> -> memref<8192x64xf32, #tpu.memory_space<hbm>>
    tpu.wait_indirect_dma semaphore(%arg7 : memref<!tpu.dma_semaphore, #tpu.memory_space<semaphore_mem>>) src(%dma_wait3A_98 : memref<8192x64xf32, #tpu.memory_space<hbm>>) dst(%dma_wait3A_92 : memref<128x64xf32, #tpu.memory_space<vmem>>)
    %dma_wait3A_99 = arith.constant 2 : i32
    %dma_wait3A_100 = arith.constant 256 : i32
    %dma_wait3A_101 = arith.constant 0 : i32
    %dma_wait3A_102 = tpu.memref_slice %arg6[%dma_wait3A_100, %dma_wait3A_101] : memref<1024x64xf32, #tpu.memory_space<vmem>> -> memref<128x64xf32, #tpu.memory_space<vmem>>
    %dma_wait3A_103 = arith.constant 0 : i32
    %dma_wait3A_104 = tpu.memref_slice %arg5[%dma_wait3A_99, %dma_wait3A_103] : memref<8x128xi32, #tpu.memory_space<vmem>> -> memref<1x128xi32, #tpu.memory_space<vmem>>
    %dma_wait3A_105 = tpu.memref_squeeze %dma_wait3A_104 : memref<1x128xi32, #tpu.memory_space<vmem>> -> memref<128xi32, #tpu.memory_space<vmem>>
    %dma_wait3A_106 = arith.constant 0 : i32
    %dma_wait3A_107 = arith.constant 0 : i32
    %dma_wait3A_108 = tpu.memref_slice %arg2[%dma_wait3A_106, %dma_wait3A_107] : memref<8192x64xf32, #tpu.memory_space<hbm>> -> memref<8192x64xf32, #tpu.memory_space<hbm>>
    tpu.wait_indirect_dma semaphore(%arg7 : memref<!tpu.dma_semaphore, #tpu.memory_space<semaphore_mem>>) src(%dma_wait3A_108 : memref<8192x64xf32, #tpu.memory_space<hbm>>) dst(%dma_wait3A_102 : memref<128x64xf32, #tpu.memory_space<vmem>>)
    %dma_wait3A_109 = arith.constant 3 : i32
    %dma_wait3A_110 = arith.constant 384 : i32
    %dma_wait3A_111 = arith.constant 0 : i32
    %dma_wait3A_112 = tpu.memref_slice %arg6[%dma_wait3A_110, %dma_wait3A_111] : memref<1024x64xf32, #tpu.memory_space<vmem>> -> memref<128x64xf32, #tpu.memory_space<vmem>>
    %dma_wait3A_113 = arith.constant 0 : i32
    %dma_wait3A_114 = tpu.memref_slice %arg5[%dma_wait3A_109, %dma_wait3A_113] : memref<8x128xi32, #tpu.memory_space<vmem>> -> memref<1x128xi32, #tpu.memory_space<vmem>>
    %dma_wait3A_115 = tpu.memref_squeeze %dma_wait3A_114 : memref<1x128xi32, #tpu.memory_space<vmem>> -> memref<128xi32, #tpu.memory_space<vmem>>
    %dma_wait3A_116 = arith.constant 0 : i32
    %dma_wait3A_117 = arith.constant 0 : i32
    %dma_wait3A_118 = tpu.memref_slice %arg2[%dma_wait3A_116, %dma_wait3A_117] : memref<8192x64xf32, #tpu.memory_space<hbm>> -> memref<8192x64xf32, #tpu.memory_space<hbm>>
    tpu.wait_indirect_dma semaphore(%arg7 : memref<!tpu.dma_semaphore, #tpu.memory_space<semaphore_mem>>) src(%dma_wait3A_118 : memref<8192x64xf32, #tpu.memory_space<hbm>>) dst(%dma_wait3A_112 : memref<128x64xf32, #tpu.memory_space<vmem>>)
    %dma_wait3A_119 = arith.constant 4 : i32
    %dma_wait3A_120 = arith.constant 512 : i32
    %dma_wait3A_121 = arith.constant 0 : i32
    %dma_wait3A_122 = tpu.memref_slice %arg6[%dma_wait3A_120, %dma_wait3A_121] : memref<1024x64xf32, #tpu.memory_space<vmem>> -> memref<128x64xf32, #tpu.memory_space<vmem>>
    %dma_wait3A_123 = arith.constant 0 : i32
    %dma_wait3A_124 = tpu.memref_slice %arg5[%dma_wait3A_119, %dma_wait3A_123] : memref<8x128xi32, #tpu.memory_space<vmem>> -> memref<1x128xi32, #tpu.memory_space<vmem>>
    %dma_wait3A_125 = tpu.memref_squeeze %dma_wait3A_124 : memref<1x128xi32, #tpu.memory_space<vmem>> -> memref<128xi32, #tpu.memory_space<vmem>>
    %dma_wait3A_126 = arith.constant 0 : i32
    %dma_wait3A_127 = arith.constant 0 : i32
    %dma_wait3A_128 = tpu.memref_slice %arg2[%dma_wait3A_126, %dma_wait3A_127] : memref<8192x64xf32, #tpu.memory_space<hbm>> -> memref<8192x64xf32, #tpu.memory_space<hbm>>
    tpu.wait_indirect_dma semaphore(%arg7 : memref<!tpu.dma_semaphore, #tpu.memory_space<semaphore_mem>>) src(%dma_wait3A_128 : memref<8192x64xf32, #tpu.memory_space<hbm>>) dst(%dma_wait3A_122 : memref<128x64xf32, #tpu.memory_space<vmem>>)
    %dma_wait3A_129 = arith.constant 5 : i32
    %dma_wait3A_130 = arith.constant 640 : i32
    %dma_wait3A_131 = arith.constant 0 : i32
    %dma_wait3A_132 = tpu.memref_slice %arg6[%dma_wait3A_130, %dma_wait3A_131] : memref<1024x64xf32, #tpu.memory_space<vmem>> -> memref<128x64xf32, #tpu.memory_space<vmem>>
    %dma_wait3A_133 = arith.constant 0 : i32
    %dma_wait3A_134 = tpu.memref_slice %arg5[%dma_wait3A_129, %dma_wait3A_133] : memref<8x128xi32, #tpu.memory_space<vmem>> -> memref<1x128xi32, #tpu.memory_space<vmem>>
    %dma_wait3A_135 = tpu.memref_squeeze %dma_wait3A_134 : memref<1x128xi32, #tpu.memory_space<vmem>> -> memref<128xi32, #tpu.memory_space<vmem>>
    %dma_wait3A_136 = arith.constant 0 : i32
    %dma_wait3A_137 = arith.constant 0 : i32
    %dma_wait3A_138 = tpu.memref_slice %arg2[%dma_wait3A_136, %dma_wait3A_137] : memref<8192x64xf32, #tpu.memory_space<hbm>> -> memref<8192x64xf32, #tpu.memory_space<hbm>>
    tpu.wait_indirect_dma semaphore(%arg7 : memref<!tpu.dma_semaphore, #tpu.memory_space<semaphore_mem>>) src(%dma_wait3A_138 : memref<8192x64xf32, #tpu.memory_space<hbm>>) dst(%dma_wait3A_132 : memref<128x64xf32, #tpu.memory_space<vmem>>)
    %dma_wait3A_139 = arith.constant 6 : i32
    %dma_wait3A_140 = arith.constant 768 : i32
    %dma_wait3A_141 = arith.constant 0 : i32
    %dma_wait3A_142 = tpu.memref_slice %arg6[%dma_wait3A_140, %dma_wait3A_141] : memref<1024x64xf32, #tpu.memory_space<vmem>> -> memref<128x64xf32, #tpu.memory_space<vmem>>
    %dma_wait3A_143 = arith.constant 0 : i32
    %dma_wait3A_144 = tpu.memref_slice %arg5[%dma_wait3A_139, %dma_wait3A_143] : memref<8x128xi32, #tpu.memory_space<vmem>> -> memref<1x128xi32, #tpu.memory_space<vmem>>
    %dma_wait3A_145 = tpu.memref_squeeze %dma_wait3A_144 : memref<1x128xi32, #tpu.memory_space<vmem>> -> memref<128xi32, #tpu.memory_space<vmem>>
    %dma_wait3A_146 = arith.constant 0 : i32
    %dma_wait3A_147 = arith.constant 0 : i32
    %dma_wait3A_148 = tpu.memref_slice %arg2[%dma_wait3A_146, %dma_wait3A_147] : memref<8192x64xf32, #tpu.memory_space<hbm>> -> memref<8192x64xf32, #tpu.memory_space<hbm>>
    tpu.wait_indirect_dma semaphore(%arg7 : memref<!tpu.dma_semaphore, #tpu.memory_space<semaphore_mem>>) src(%dma_wait3A_148 : memref<8192x64xf32, #tpu.memory_space<hbm>>) dst(%dma_wait3A_142 : memref<128x64xf32, #tpu.memory_space<vmem>>)
    %dma_wait3A_149 = arith.constant 7 : i32
    %dma_wait3A_150 = arith.constant 896 : i32
    %dma_wait3A_151 = arith.constant 0 : i32
    %dma_wait3A_152 = tpu.memref_slice %arg6[%dma_wait3A_150, %dma_wait3A_151] : memref<1024x64xf32, #tpu.memory_space<vmem>> -> memref<128x64xf32, #tpu.memory_space<vmem>>
    %dma_wait3A_153 = arith.constant 0 : i32
    %dma_wait3A_154 = tpu.memref_slice %arg5[%dma_wait3A_149, %dma_wait3A_153] : memref<8x128xi32, #tpu.memory_space<vmem>> -> memref<1x128xi32, #tpu.memory_space<vmem>>
    %dma_wait3A_155 = tpu.memref_squeeze %dma_wait3A_154 : memref<1x128xi32, #tpu.memory_space<vmem>> -> memref<128xi32, #tpu.memory_space<vmem>>
    %dma_wait3A_156 = arith.constant 0 : i32
    %dma_wait3A_157 = arith.constant 0 : i32
    %dma_wait3A_158 = tpu.memref_slice %arg2[%dma_wait3A_156, %dma_wait3A_157] : memref<8192x64xf32, #tpu.memory_space<hbm>> -> memref<8192x64xf32, #tpu.memory_space<hbm>>
    tpu.wait_indirect_dma semaphore(%arg7 : memref<!tpu.dma_semaphore, #tpu.memory_space<semaphore_mem>>) src(%dma_wait3A_158 : memref<8192x64xf32, #tpu.memory_space<hbm>>) dst(%dma_wait3A_152 : memref<128x64xf32, #tpu.memory_space<vmem>>)
    %mul3A_159 = arith.constant 1024 : i32
    %mul3A_160 = arith.muli %add3A, %mul3A_159 : i32
    "tpu.region"() ({
      %run_scoped3A = tpu.sem_alloc : memref<!tpu.dma_semaphore, #tpu.memory_space<semaphore_mem>>
      %dma_start3A_161 = arith.constant 0 : i32
      %dma_start3A_162 = tpu.memref_slice %arg4[%mul3A_160, %dma_start3A_161] : memref<32768x64xf32, #tpu.memory_space<hbm>> -> memref<1024x64xf32, #tpu.memory_space<hbm>>
      %dma_start3A_163 = arith.constant 0 : i32
      %dma_start3A_164 = tpu.memref_slice %arg4[%mul3A_160, %dma_start3A_163] : memref<32768x64xf32, #tpu.memory_space<hbm>> -> memref<1024x64xf32, #tpu.memory_space<hbm>>
      tpu.enqueue_dma source(%arg6 : memref<1024x64xf32, #tpu.memory_space<vmem>>) target(%dma_start3A_164 : memref<1024x64xf32, #tpu.memory_space<hbm>>) target_semaphore(%run_scoped3A : memref<!tpu.dma_semaphore, #tpu.memory_space<semaphore_mem>>)
      %dma_wait3A_165 = arith.constant 0 : i32
      %dma_wait3A_166 = tpu.memref_slice %arg4[%mul3A_160, %dma_wait3A_165] : memref<32768x64xf32, #tpu.memory_space<hbm>> -> memref<1024x64xf32, #tpu.memory_space<hbm>>
      %dma_wait3A_167 = arith.constant 0 : i32
      %dma_wait3A_168 = tpu.memref_slice %arg4[%mul3A_160, %dma_wait3A_167] : memref<32768x64xf32, #tpu.memory_space<hbm>> -> memref<1024x64xf32, #tpu.memory_space<hbm>>
      tpu.wait_dma2 semaphore(%run_scoped3A : memref<!tpu.dma_semaphore, #tpu.memory_space<semaphore_mem>>) src(%arg6 : memref<1024x64xf32, #tpu.memory_space<vmem>>) dst(%dma_wait3A_168 : memref<1024x64xf32, #tpu.memory_space<hbm>>)
      tpu.yield
    }) : () -> ()
    return
  }
}

module attributes {stable_mosaic.version = 14 : i64} {
  func.func @_vq_tc_body(%arg0: i32, %arg1: i32, %arg2: memref<1x1024x64xf32, #tpu.memory_space<vmem>>, %arg3: memref<8x64x256xf32, #tpu.memory_space<vmem>>, %arg4: memref<1x8x1x256xf32, #tpu.memory_space<vmem>>, %arg5: memref<1x8x1x256xi32, #tpu.memory_space<vmem>>) attributes {dimension_semantics = [#tpu.dimension_semantics<parallel>, #tpu.dimension_semantics<parallel>], iteration_bounds = array<i64: 8, 2>, scalar_prefetch = 0 : i64, scratch_operands = 0 : i64, tpu.core_type = #tpu.core_type<tc>, window_params = [{transform_indices = @transform_0, window_bounds = array<i64: 1, 1024, 64>}, {transform_indices = @transform_1, window_bounds = array<i64: 8, 64, 256>}, {transform_indices = @transform_2, window_bounds = array<i64: 1, 8, 1, 256>}, {transform_indices = @transform_3, window_bounds = array<i64: 1, 8, 1, 256>}]} {
    %get3A = arith.constant 0 : index
    %get3A_0 = arith.constant 0 : index
    %get3A_1 = arith.constant 0 : index
    %get3A_2 = vector.load %arg2[%get3A, %get3A_0, %get3A_1] : memref<1x1024x64xf32, #tpu.memory_space<vmem>>, vector<1x1024x64xf32>
    %get3A_3 = vector.shape_cast %get3A_2 : vector<1x1024x64xf32> to vector<1024x64xf32>
    %add3A = arith.addf %get3A_3, %get3A_3 : vector<1024x64xf32>
    %mul3A = arith.mulf %get3A_3, %get3A_3 : vector<1024x64xf32>
    %reduce_sum3A = arith.constant dense<0.000000e+00> : vector<1024xf32>
    %reduce_sum3A_4 = vector.multi_reduction <add>, %mul3A, %reduce_sum3A [1] : vector<1024x64xf32> to vector<1024xf32>
    %broadcast_in_dim3A = vector.shape_cast %reduce_sum3A_4 : vector<1024xf32> to vector<1024x1xf32>
    %iota3A = tpu.iota {dimensions = array<i32: 0>} : vector<1024x1xi32>
    %convert_element_type3A = arith.sitofp %iota3A : vector<1024x1xi32> to vector<1024x1xf32>
    %get3A_5 = arith.constant 0 : index
    %get3A_6 = arith.constant 0 : index
    %get3A_7 = arith.constant 0 : index
    %get3A_8 = vector.load %arg3[%get3A_5, %get3A_6, %get3A_7] : memref<8x64x256xf32, #tpu.memory_space<vmem>>, vector<1x64x256xf32>
    %get3A_9 = vector.shape_cast %get3A_8 : vector<1x64x256xf32> to vector<64x256xf32>
    %dot_general3A = arith.constant dense<0.000000e+00> : vector<1024x256xf32>
    %dot_general3A_10 = tpu.matmul %add3A, %get3A_9, %dot_general3A {dimension_numbers = #tpu.dot_dimension_numbers<[1], [0], [0], [1], [0, 0, 1, 1], [], []>, transpose_lhs_hint = false} : vector<1024x64xf32>, vector<64x256xf32>, vector<1024x256xf32> -> vector<1024x256xf32>
    %get3A_11 = arith.constant 0 : index
    %get3A_12 = arith.constant 0 : index
    %get3A_13 = arith.constant 0 : index
    %get3A_14 = arith.constant 0 : index
    %get3A_15 = vector.load %arg4[%get3A_11, %get3A_12, %get3A_13, %get3A_14] : memref<1x8x1x256xf32, #tpu.memory_space<vmem>>, vector<1x1x1x256xf32>
    %get3A_16 = vector.shape_cast %get3A_15 : vector<1x1x1x256xf32> to vector<1x256xf32>
    %sub3A = vector.broadcast %get3A_16 : vector<1x256xf32> to vector<1024x256xf32>
    %sub3A_17 = arith.subf %sub3A, %dot_general3A_10 : vector<1024x256xf32>
    %add3A_18 = vector.broadcast %broadcast_in_dim3A : vector<1024x1xf32> to vector<1024x256xf32>
    %add3A_19 = arith.addf %sub3A_17, %add3A_18 : vector<1024x256xf32>
    %max3A = arith.constant 0.000000e+00 : f32
    %max3A_20 = vector.broadcast %max3A : f32 to vector<1024x256xf32>
    %max3A_21 = arith.maximumf %add3A_19, %max3A_20 : vector<1024x256xf32>
    %sqrt3A = math.sqrt %max3A_21 : vector<1024x256xf32>
    %reduce_min3A = arith.constant dense<0x7F800000> : vector<256xf32>
    %reduce_min3A_22 = vector.multi_reduction <minimumf>, %sqrt3A, %reduce_min3A [0] : vector<1024x256xf32> to vector<256xf32>
    %broadcast_in_dim3A_23 = vector.shape_cast %reduce_min3A_22 : vector<256xf32> to vector<1x256xf32>
    %eq3A = vector.broadcast %broadcast_in_dim3A_23 : vector<1x256xf32> to vector<1024x256xf32>
    %eq3A_24 = arith.cmpf oeq, %sqrt3A, %eq3A : vector<1024x256xf32>
    %jit3A = arith.constant 1.024000e+03 : f32
    %broadcast_in_dim3A_25 = vector.shape_cast %convert_element_type3A : vector<1024x1xf32> to vector<1024x1xf32>
    %broadcast_in_dim3A_26 = vector.broadcast %broadcast_in_dim3A_25 : vector<1024x1xf32> to vector<1024x256xf32>
    %broadcast_in_dim3A_27 = vector.broadcast %jit3A : f32 to vector<1024x256xf32>
    %select_n3A = arith.select %eq3A_24, %broadcast_in_dim3A_26, %broadcast_in_dim3A_27 : vector<1024x256xi1>, vector<1024x256xf32>
    %reduce_min3A_28 = arith.constant dense<0x7F800000> : vector<256xf32>
    %reduce_min3A_29 = vector.multi_reduction <minimumf>, %select_n3A, %reduce_min3A_28 [0] : vector<1024x256xf32> to vector<256xf32>
    %convert_element_type3A_30 = arith.fptosi %reduce_min3A_29 : vector<256xf32> to vector<256xi32>
    %swap3A = arith.constant 0 : index
    %swap3A_31 = arith.constant 0 : index
    %swap3A_32 = arith.constant 0 : index
    %swap3A_33 = arith.constant 0 : index
    %swap3A_34 = vector.load %arg5[%swap3A, %swap3A_31, %swap3A_32, %swap3A_33] : memref<1x8x1x256xi32, #tpu.memory_space<vmem>>, vector<1x1x1x256xi32>
    %swap3A_35 = vector.shape_cast %swap3A_34 : vector<1x1x1x256xi32> to vector<256xi32>
    %swap3A_36 = vector.shape_cast %convert_element_type3A_30 : vector<256xi32> to vector<1x1x1x256xi32>
    tpu.vector_store %arg5[%swap3A, %swap3A_31, %swap3A_32, %swap3A_33], %swap3A_36 {strides = array<i32>} : memref<1x8x1x256xi32, #tpu.memory_space<vmem>>, vector<1x1x1x256xi32>,
    %get3A_37 = arith.constant 1 : index
    %get3A_38 = arith.constant 0 : index
    %get3A_39 = arith.constant 0 : index
    %get3A_40 = vector.load %arg3[%get3A_37, %get3A_38, %get3A_39] : memref<8x64x256xf32, #tpu.memory_space<vmem>>, vector<1x64x256xf32>
    %get3A_41 = vector.shape_cast %get3A_40 : vector<1x64x256xf32> to vector<64x256xf32>
    %dot_general3A_42 = arith.constant dense<0.000000e+00> : vector<1024x256xf32>
    %dot_general3A_43 = tpu.matmul %add3A, %get3A_41, %dot_general3A_42 {dimension_numbers = #tpu.dot_dimension_numbers<[1], [0], [0], [1], [0, 0, 1, 1], [], []>, transpose_lhs_hint = false} : vector<1024x64xf32>, vector<64x256xf32>, vector<1024x256xf32> -> vector<1024x256xf32>
    %get3A_44 = arith.constant 0 : index
    %get3A_45 = arith.constant 1 : index
    %get3A_46 = arith.constant 0 : index
    %get3A_47 = arith.constant 0 : index
    %get3A_48 = vector.load %arg4[%get3A_44, %get3A_45, %get3A_46, %get3A_47] : memref<1x8x1x256xf32, #tpu.memory_space<vmem>>, vector<1x1x1x256xf32>
    %get3A_49 = vector.shape_cast %get3A_48 : vector<1x1x1x256xf32> to vector<1x256xf32>
    %sub3A_50 = vector.broadcast %get3A_49 : vector<1x256xf32> to vector<1024x256xf32>
    %sub3A_51 = arith.subf %sub3A_50, %dot_general3A_43 : vector<1024x256xf32>
    %add3A_52 = vector.broadcast %broadcast_in_dim3A : vector<1024x1xf32> to vector<1024x256xf32>
    %add3A_53 = arith.addf %sub3A_51, %add3A_52 : vector<1024x256xf32>
    %max3A_54 = arith.constant 0.000000e+00 : f32
    %max3A_55 = vector.broadcast %max3A_54 : f32 to vector<1024x256xf32>
    %max3A_56 = arith.maximumf %add3A_53, %max3A_55 : vector<1024x256xf32>
    %sqrt3A_57 = math.sqrt %max3A_56 : vector<1024x256xf32>
    %reduce_min3A_58 = arith.constant dense<0x7F800000> : vector<256xf32>
    %reduce_min3A_59 = vector.multi_reduction <minimumf>, %sqrt3A_57, %reduce_min3A_58 [0] : vector<1024x256xf32> to vector<256xf32>
    %broadcast_in_dim3A_60 = vector.shape_cast %reduce_min3A_59 : vector<256xf32> to vector<1x256xf32>
    %eq3A_61 = vector.broadcast %broadcast_in_dim3A_60 : vector<1x256xf32> to vector<1024x256xf32>
    %eq3A_62 = arith.cmpf oeq, %sqrt3A_57, %eq3A_61 : vector<1024x256xf32>
    %jit3A_63 = arith.constant 1.024000e+03 : f32
    %broadcast_in_dim3A_64 = vector.shape_cast %convert_element_type3A : vector<1024x1xf32> to vector<1024x1xf32>
    %broadcast_in_dim3A_65 = vector.broadcast %broadcast_in_dim3A_64 : vector<1024x1xf32> to vector<1024x256xf32>
    %broadcast_in_dim3A_66 = vector.broadcast %jit3A_63 : f32 to vector<1024x256xf32>
    %select_n3A_67 = arith.select %eq3A_62, %broadcast_in_dim3A_65, %broadcast_in_dim3A_66 : vector<1024x256xi1>, vector<1024x256xf32>
    %reduce_min3A_68 = arith.constant dense<0x7F800000> : vector<256xf32>
    %reduce_min3A_69 = vector.multi_reduction <minimumf>, %select_n3A_67, %reduce_min3A_68 [0] : vector<1024x256xf32> to vector<256xf32>
    %convert_element_type3A_70 = arith.fptosi %reduce_min3A_69 : vector<256xf32> to vector<256xi32>
    %swap3A_71 = arith.constant 0 : index
    %swap3A_72 = arith.constant 1 : index
    %swap3A_73 = arith.constant 0 : index
    %swap3A_74 = arith.constant 0 : index
    %swap3A_75 = vector.load %arg5[%swap3A_71, %swap3A_72, %swap3A_73, %swap3A_74] : memref<1x8x1x256xi32, #tpu.memory_space<vmem>>, vector<1x1x1x256xi32>
    %swap3A_76 = vector.shape_cast %swap3A_75 : vector<1x1x1x256xi32> to vector<256xi32>
    %swap3A_77 = vector.shape_cast %convert_element_type3A_70 : vector<256xi32> to vector<1x1x1x256xi32>
    tpu.vector_store %arg5[%swap3A_71, %swap3A_72, %swap3A_73, %swap3A_74], %swap3A_77 {strides = array<i32>} : memref<1x8x1x256xi32, #tpu.memory_space<vmem>>, vector<1x1x1x256xi32>,
    %get3A_78 = arith.constant 2 : index
    %get3A_79 = arith.constant 0 : index
    %get3A_80 = arith.constant 0 : index
    %get3A_81 = vector.load %arg3[%get3A_78, %get3A_79, %get3A_80] : memref<8x64x256xf32, #tpu.memory_space<vmem>>, vector<1x64x256xf32>
    %get3A_82 = vector.shape_cast %get3A_81 : vector<1x64x256xf32> to vector<64x256xf32>
    %dot_general3A_83 = arith.constant dense<0.000000e+00> : vector<1024x256xf32>
    %dot_general3A_84 = tpu.matmul %add3A, %get3A_82, %dot_general3A_83 {dimension_numbers = #tpu.dot_dimension_numbers<[1], [0], [0], [1], [0, 0, 1, 1], [], []>, transpose_lhs_hint = false} : vector<1024x64xf32>, vector<64x256xf32>, vector<1024x256xf32> -> vector<1024x256xf32>
    %get3A_85 = arith.constant 0 : index
    %get3A_86 = arith.constant 2 : index
    %get3A_87 = arith.constant 0 : index
    %get3A_88 = arith.constant 0 : index
    %get3A_89 = vector.load %arg4[%get3A_85, %get3A_86, %get3A_87, %get3A_88] : memref<1x8x1x256xf32, #tpu.memory_space<vmem>>, vector<1x1x1x256xf32>
    %get3A_90 = vector.shape_cast %get3A_89 : vector<1x1x1x256xf32> to vector<1x256xf32>
    %sub3A_91 = vector.broadcast %get3A_90 : vector<1x256xf32> to vector<1024x256xf32>
    %sub3A_92 = arith.subf %sub3A_91, %dot_general3A_84 : vector<1024x256xf32>
    %add3A_93 = vector.broadcast %broadcast_in_dim3A : vector<1024x1xf32> to vector<1024x256xf32>
    %add3A_94 = arith.addf %sub3A_92, %add3A_93 : vector<1024x256xf32>
    %max3A_95 = arith.constant 0.000000e+00 : f32
    %max3A_96 = vector.broadcast %max3A_95 : f32 to vector<1024x256xf32>
    %max3A_97 = arith.maximumf %add3A_94, %max3A_96 : vector<1024x256xf32>
    %sqrt3A_98 = math.sqrt %max3A_97 : vector<1024x256xf32>
    %reduce_min3A_99 = arith.constant dense<0x7F800000> : vector<256xf32>
    %reduce_min3A_100 = vector.multi_reduction <minimumf>, %sqrt3A_98, %reduce_min3A_99 [0] : vector<1024x256xf32> to vector<256xf32>
    %broadcast_in_dim3A_101 = vector.shape_cast %reduce_min3A_100 : vector<256xf32> to vector<1x256xf32>
    %eq3A_102 = vector.broadcast %broadcast_in_dim3A_101 : vector<1x256xf32> to vector<1024x256xf32>
    %eq3A_103 = arith.cmpf oeq, %sqrt3A_98, %eq3A_102 : vector<1024x256xf32>
    %jit3A_104 = arith.constant 1.024000e+03 : f32
    %broadcast_in_dim3A_105 = vector.shape_cast %convert_element_type3A : vector<1024x1xf32> to vector<1024x1xf32>
    %broadcast_in_dim3A_106 = vector.broadcast %broadcast_in_dim3A_105 : vector<1024x1xf32> to vector<1024x256xf32>
    %broadcast_in_dim3A_107 = vector.broadcast %jit3A_104 : f32 to vector<1024x256xf32>
    %select_n3A_108 = arith.select %eq3A_103, %broadcast_in_dim3A_106, %broadcast_in_dim3A_107 : vector<1024x256xi1>, vector<1024x256xf32>
    %reduce_min3A_109 = arith.constant dense<0x7F800000> : vector<256xf32>
    %reduce_min3A_110 = vector.multi_reduction <minimumf>, %select_n3A_108, %reduce_min3A_109 [0] : vector<1024x256xf32> to vector<256xf32>
    %convert_element_type3A_111 = arith.fptosi %reduce_min3A_110 : vector<256xf32> to vector<256xi32>
    %swap3A_112 = arith.constant 0 : index
    %swap3A_113 = arith.constant 2 : index
    %swap3A_114 = arith.constant 0 : index
    %swap3A_115 = arith.constant 0 : index
    %swap3A_116 = vector.load %arg5[%swap3A_112, %swap3A_113, %swap3A_114, %swap3A_115] : memref<1x8x1x256xi32, #tpu.memory_space<vmem>>, vector<1x1x1x256xi32>
    %swap3A_117 = vector.shape_cast %swap3A_116 : vector<1x1x1x256xi32> to vector<256xi32>
    %swap3A_118 = vector.shape_cast %convert_element_type3A_111 : vector<256xi32> to vector<1x1x1x256xi32>
    tpu.vector_store %arg5[%swap3A_112, %swap3A_113, %swap3A_114, %swap3A_115], %swap3A_118 {strides = array<i32>} : memref<1x8x1x256xi32, #tpu.memory_space<vmem>>, vector<1x1x1x256xi32>,
    %get3A_119 = arith.constant 3 : index
    %get3A_120 = arith.constant 0 : index
    %get3A_121 = arith.constant 0 : index
    %get3A_122 = vector.load %arg3[%get3A_119, %get3A_120, %get3A_121] : memref<8x64x256xf32, #tpu.memory_space<vmem>>, vector<1x64x256xf32>
    %get3A_123 = vector.shape_cast %get3A_122 : vector<1x64x256xf32> to vector<64x256xf32>
    %dot_general3A_124 = arith.constant dense<0.000000e+00> : vector<1024x256xf32>
    %dot_general3A_125 = tpu.matmul %add3A, %get3A_123, %dot_general3A_124 {dimension_numbers = #tpu.dot_dimension_numbers<[1], [0], [0], [1], [0, 0, 1, 1], [], []>, transpose_lhs_hint = false} : vector<1024x64xf32>, vector<64x256xf32>, vector<1024x256xf32> -> vector<1024x256xf32>
    %get3A_126 = arith.constant 0 : index
    %get3A_127 = arith.constant 3 : index
    %get3A_128 = arith.constant 0 : index
    %get3A_129 = arith.constant 0 : index
    %get3A_130 = vector.load %arg4[%get3A_126, %get3A_127, %get3A_128, %get3A_129] : memref<1x8x1x256xf32, #tpu.memory_space<vmem>>, vector<1x1x1x256xf32>
    %get3A_131 = vector.shape_cast %get3A_130 : vector<1x1x1x256xf32> to vector<1x256xf32>
    %sub3A_132 = vector.broadcast %get3A_131 : vector<1x256xf32> to vector<1024x256xf32>
    %sub3A_133 = arith.subf %sub3A_132, %dot_general3A_125 : vector<1024x256xf32>
    %add3A_134 = vector.broadcast %broadcast_in_dim3A : vector<1024x1xf32> to vector<1024x256xf32>
    %add3A_135 = arith.addf %sub3A_133, %add3A_134 : vector<1024x256xf32>
    %max3A_136 = arith.constant 0.000000e+00 : f32
    %max3A_137 = vector.broadcast %max3A_136 : f32 to vector<1024x256xf32>
    %max3A_138 = arith.maximumf %add3A_135, %max3A_137 : vector<1024x256xf32>
    %sqrt3A_139 = math.sqrt %max3A_138 : vector<1024x256xf32>
    %reduce_min3A_140 = arith.constant dense<0x7F800000> : vector<256xf32>
    %reduce_min3A_141 = vector.multi_reduction <minimumf>, %sqrt3A_139, %reduce_min3A_140 [0] : vector<1024x256xf32> to vector<256xf32>
    %broadcast_in_dim3A_142 = vector.shape_cast %reduce_min3A_141 : vector<256xf32> to vector<1x256xf32>
    %eq3A_143 = vector.broadcast %broadcast_in_dim3A_142 : vector<1x256xf32> to vector<1024x256xf32>
    %eq3A_144 = arith.cmpf oeq, %sqrt3A_139, %eq3A_143 : vector<1024x256xf32>
    %jit3A_145 = arith.constant 1.024000e+03 : f32
    %broadcast_in_dim3A_146 = vector.shape_cast %convert_element_type3A : vector<1024x1xf32> to vector<1024x1xf32>
    %broadcast_in_dim3A_147 = vector.broadcast %broadcast_in_dim3A_146 : vector<1024x1xf32> to vector<1024x256xf32>
    %broadcast_in_dim3A_148 = vector.broadcast %jit3A_145 : f32 to vector<1024x256xf32>
    %select_n3A_149 = arith.select %eq3A_144, %broadcast_in_dim3A_147, %broadcast_in_dim3A_148 : vector<1024x256xi1>, vector<1024x256xf32>
    %reduce_min3A_150 = arith.constant dense<0x7F800000> : vector<256xf32>
    %reduce_min3A_151 = vector.multi_reduction <minimumf>, %select_n3A_149, %reduce_min3A_150 [0] : vector<1024x256xf32> to vector<256xf32>
    %convert_element_type3A_152 = arith.fptosi %reduce_min3A_151 : vector<256xf32> to vector<256xi32>
    %swap3A_153 = arith.constant 0 : index
    %swap3A_154 = arith.constant 3 : index
    %swap3A_155 = arith.constant 0 : index
    %swap3A_156 = arith.constant 0 : index
    %swap3A_157 = vector.load %arg5[%swap3A_153, %swap3A_154, %swap3A_155, %swap3A_156] : memref<1x8x1x256xi32, #tpu.memory_space<vmem>>, vector<1x1x1x256xi32>
    %swap3A_158 = vector.shape_cast %swap3A_157 : vector<1x1x1x256xi32> to vector<256xi32>
    %swap3A_159 = vector.shape_cast %convert_element_type3A_152 : vector<256xi32> to vector<1x1x1x256xi32>
    tpu.vector_store %arg5[%swap3A_153, %swap3A_154, %swap3A_155, %swap3A_156], %swap3A_159 {strides = array<i32>} : memref<1x8x1x256xi32, #tpu.memory_space<vmem>>, vector<1x1x1x256xi32>,
    %get3A_160 = arith.constant 4 : index
    %get3A_161 = arith.constant 0 : index
    %get3A_162 = arith.constant 0 : index
    %get3A_163 = vector.load %arg3[%get3A_160, %get3A_161, %get3A_162] : memref<8x64x256xf32, #tpu.memory_space<vmem>>, vector<1x64x256xf32>
    %get3A_164 = vector.shape_cast %get3A_163 : vector<1x64x256xf32> to vector<64x256xf32>
    %dot_general3A_165 = arith.constant dense<0.000000e+00> : vector<1024x256xf32>
    %dot_general3A_166 = tpu.matmul %add3A, %get3A_164, %dot_general3A_165 {dimension_numbers = #tpu.dot_dimension_numbers<[1], [0], [0], [1], [0, 0, 1, 1], [], []>, transpose_lhs_hint = false} : vector<1024x64xf32>, vector<64x256xf32>, vector<1024x256xf32> -> vector<1024x256xf32>
    %get3A_167 = arith.constant 0 : index
    %get3A_168 = arith.constant 4 : index
    %get3A_169 = arith.constant 0 : index
    %get3A_170 = arith.constant 0 : index
    %get3A_171 = vector.load %arg4[%get3A_167, %get3A_168, %get3A_169, %get3A_170] : memref<1x8x1x256xf32, #tpu.memory_space<vmem>>, vector<1x1x1x256xf32>
    %get3A_172 = vector.shape_cast %get3A_171 : vector<1x1x1x256xf32> to vector<1x256xf32>
    %sub3A_173 = vector.broadcast %get3A_172 : vector<1x256xf32> to vector<1024x256xf32>
    %sub3A_174 = arith.subf %sub3A_173, %dot_general3A_166 : vector<1024x256xf32>
    %add3A_175 = vector.broadcast %broadcast_in_dim3A : vector<1024x1xf32> to vector<1024x256xf32>
    %add3A_176 = arith.addf %sub3A_174, %add3A_175 : vector<1024x256xf32>
    %max3A_177 = arith.constant 0.000000e+00 : f32
    %max3A_178 = vector.broadcast %max3A_177 : f32 to vector<1024x256xf32>
    %max3A_179 = arith.maximumf %add3A_176, %max3A_178 : vector<1024x256xf32>
    %sqrt3A_180 = math.sqrt %max3A_179 : vector<1024x256xf32>
    %reduce_min3A_181 = arith.constant dense<0x7F800000> : vector<256xf32>
    %reduce_min3A_182 = vector.multi_reduction <minimumf>, %sqrt3A_180, %reduce_min3A_181 [0] : vector<1024x256xf32> to vector<256xf32>
    %broadcast_in_dim3A_183 = vector.shape_cast %reduce_min3A_182 : vector<256xf32> to vector<1x256xf32>
    %eq3A_184 = vector.broadcast %broadcast_in_dim3A_183 : vector<1x256xf32> to vector<1024x256xf32>
    %eq3A_185 = arith.cmpf oeq, %sqrt3A_180, %eq3A_184 : vector<1024x256xf32>
    %jit3A_186 = arith.constant 1.024000e+03 : f32
    %broadcast_in_dim3A_187 = vector.shape_cast %convert_element_type3A : vector<1024x1xf32> to vector<1024x1xf32>
    %broadcast_in_dim3A_188 = vector.broadcast %broadcast_in_dim3A_187 : vector<1024x1xf32> to vector<1024x256xf32>
    %broadcast_in_dim3A_189 = vector.broadcast %jit3A_186 : f32 to vector<1024x256xf32>
    %select_n3A_190 = arith.select %eq3A_185, %broadcast_in_dim3A_188, %broadcast_in_dim3A_189 : vector<1024x256xi1>, vector<1024x256xf32>
    %reduce_min3A_191 = arith.constant dense<0x7F800000> : vector<256xf32>
    %reduce_min3A_192 = vector.multi_reduction <minimumf>, %select_n3A_190, %reduce_min3A_191 [0] : vector<1024x256xf32> to vector<256xf32>
    %convert_element_type3A_193 = arith.fptosi %reduce_min3A_192 : vector<256xf32> to vector<256xi32>
    %swap3A_194 = arith.constant 0 : index
    %swap3A_195 = arith.constant 4 : index
    %swap3A_196 = arith.constant 0 : index
    %swap3A_197 = arith.constant 0 : index
    %swap3A_198 = vector.load %arg5[%swap3A_194, %swap3A_195, %swap3A_196, %swap3A_197] : memref<1x8x1x256xi32, #tpu.memory_space<vmem>>, vector<1x1x1x256xi32>
    %swap3A_199 = vector.shape_cast %swap3A_198 : vector<1x1x1x256xi32> to vector<256xi32>
    %swap3A_200 = vector.shape_cast %convert_element_type3A_193 : vector<256xi32> to vector<1x1x1x256xi32>
    tpu.vector_store %arg5[%swap3A_194, %swap3A_195, %swap3A_196, %swap3A_197], %swap3A_200 {strides = array<i32>} : memref<1x8x1x256xi32, #tpu.memory_space<vmem>>, vector<1x1x1x256xi32>,
    %get3A_201 = arith.constant 5 : index
    %get3A_202 = arith.constant 0 : index
    %get3A_203 = arith.constant 0 : index
    %get3A_204 = vector.load %arg3[%get3A_201, %get3A_202, %get3A_203] : memref<8x64x256xf32, #tpu.memory_space<vmem>>, vector<1x64x256xf32>
    %get3A_205 = vector.shape_cast %get3A_204 : vector<1x64x256xf32> to vector<64x256xf32>
    %dot_general3A_206 = arith.constant dense<0.000000e+00> : vector<1024x256xf32>
    %dot_general3A_207 = tpu.matmul %add3A, %get3A_205, %dot_general3A_206 {dimension_numbers = #tpu.dot_dimension_numbers<[1], [0], [0], [1], [0, 0, 1, 1], [], []>, transpose_lhs_hint = false} : vector<1024x64xf32>, vector<64x256xf32>, vector<1024x256xf32> -> vector<1024x256xf32>
    %get3A_208 = arith.constant 0 : index
    %get3A_209 = arith.constant 5 : index
    %get3A_210 = arith.constant 0 : index
    %get3A_211 = arith.constant 0 : index
    %get3A_212 = vector.load %arg4[%get3A_208, %get3A_209, %get3A_210, %get3A_211] : memref<1x8x1x256xf32, #tpu.memory_space<vmem>>, vector<1x1x1x256xf32>
    %get3A_213 = vector.shape_cast %get3A_212 : vector<1x1x1x256xf32> to vector<1x256xf32>
    %sub3A_214 = vector.broadcast %get3A_213 : vector<1x256xf32> to vector<1024x256xf32>
    %sub3A_215 = arith.subf %sub3A_214, %dot_general3A_207 : vector<1024x256xf32>
    %add3A_216 = vector.broadcast %broadcast_in_dim3A : vector<1024x1xf32> to vector<1024x256xf32>
    %add3A_217 = arith.addf %sub3A_215, %add3A_216 : vector<1024x256xf32>
    %max3A_218 = arith.constant 0.000000e+00 : f32
    %max3A_219 = vector.broadcast %max3A_218 : f32 to vector<1024x256xf32>
    %max3A_220 = arith.maximumf %add3A_217, %max3A_219 : vector<1024x256xf32>
    %sqrt3A_221 = math.sqrt %max3A_220 : vector<1024x256xf32>
    %reduce_min3A_222 = arith.constant dense<0x7F800000> : vector<256xf32>
    %reduce_min3A_223 = vector.multi_reduction <minimumf>, %sqrt3A_221, %reduce_min3A_222 [0] : vector<1024x256xf32> to vector<256xf32>
    %broadcast_in_dim3A_224 = vector.shape_cast %reduce_min3A_223 : vector<256xf32> to vector<1x256xf32>
    %eq3A_225 = vector.broadcast %broadcast_in_dim3A_224 : vector<1x256xf32> to vector<1024x256xf32>
    %eq3A_226 = arith.cmpf oeq, %sqrt3A_221, %eq3A_225 : vector<1024x256xf32>
    %jit3A_227 = arith.constant 1.024000e+03 : f32
    %broadcast_in_dim3A_228 = vector.shape_cast %convert_element_type3A : vector<1024x1xf32> to vector<1024x1xf32>
    %broadcast_in_dim3A_229 = vector.broadcast %broadcast_in_dim3A_228 : vector<1024x1xf32> to vector<1024x256xf32>
    %broadcast_in_dim3A_230 = vector.broadcast %jit3A_227 : f32 to vector<1024x256xf32>
    %select_n3A_231 = arith.select %eq3A_226, %broadcast_in_dim3A_229, %broadcast_in_dim3A_230 : vector<1024x256xi1>, vector<1024x256xf32>
    %reduce_min3A_232 = arith.constant dense<0x7F800000> : vector<256xf32>
    %reduce_min3A_233 = vector.multi_reduction <minimumf>, %select_n3A_231, %reduce_min3A_232 [0] : vector<1024x256xf32> to vector<256xf32>
    %convert_element_type3A_234 = arith.fptosi %reduce_min3A_233 : vector<256xf32> to vector<256xi32>
    %swap3A_235 = arith.constant 0 : index
    %swap3A_236 = arith.constant 5 : index
    %swap3A_237 = arith.constant 0 : index
    %swap3A_238 = arith.constant 0 : index
    %swap3A_239 = vector.load %arg5[%swap3A_235, %swap3A_236, %swap3A_237, %swap3A_238] : memref<1x8x1x256xi32, #tpu.memory_space<vmem>>, vector<1x1x1x256xi32>
    %swap3A_240 = vector.shape_cast %swap3A_239 : vector<1x1x1x256xi32> to vector<256xi32>
    %swap3A_241 = vector.shape_cast %convert_element_type3A_234 : vector<256xi32> to vector<1x1x1x256xi32>
    tpu.vector_store %arg5[%swap3A_235, %swap3A_236, %swap3A_237, %swap3A_238], %swap3A_241 {strides = array<i32>} : memref<1x8x1x256xi32, #tpu.memory_space<vmem>>, vector<1x1x1x256xi32>,
    %get3A_242 = arith.constant 6 : index
    %get3A_243 = arith.constant 0 : index
    %get3A_244 = arith.constant 0 : index
    %get3A_245 = vector.load %arg3[%get3A_242, %get3A_243, %get3A_244] : memref<8x64x256xf32, #tpu.memory_space<vmem>>, vector<1x64x256xf32>
    %get3A_246 = vector.shape_cast %get3A_245 : vector<1x64x256xf32> to vector<64x256xf32>
    %dot_general3A_247 = arith.constant dense<0.000000e+00> : vector<1024x256xf32>
    %dot_general3A_248 = tpu.matmul %add3A, %get3A_246, %dot_general3A_247 {dimension_numbers = #tpu.dot_dimension_numbers<[1], [0], [0], [1], [0, 0, 1, 1], [], []>, transpose_lhs_hint = false} : vector<1024x64xf32>, vector<64x256xf32>, vector<1024x256xf32> -> vector<1024x256xf32>
    %get3A_249 = arith.constant 0 : index
    %get3A_250 = arith.constant 6 : index
    %get3A_251 = arith.constant 0 : index
    %get3A_252 = arith.constant 0 : index
    %get3A_253 = vector.load %arg4[%get3A_249, %get3A_250, %get3A_251, %get3A_252] : memref<1x8x1x256xf32, #tpu.memory_space<vmem>>, vector<1x1x1x256xf32>
    %get3A_254 = vector.shape_cast %get3A_253 : vector<1x1x1x256xf32> to vector<1x256xf32>
    %sub3A_255 = vector.broadcast %get3A_254 : vector<1x256xf32> to vector<1024x256xf32>
    %sub3A_256 = arith.subf %sub3A_255, %dot_general3A_248 : vector<1024x256xf32>
    %add3A_257 = vector.broadcast %broadcast_in_dim3A : vector<1024x1xf32> to vector<1024x256xf32>
    %add3A_258 = arith.addf %sub3A_256, %add3A_257 : vector<1024x256xf32>
    %max3A_259 = arith.constant 0.000000e+00 : f32
    %max3A_260 = vector.broadcast %max3A_259 : f32 to vector<1024x256xf32>
    %max3A_261 = arith.maximumf %add3A_258, %max3A_260 : vector<1024x256xf32>
    %sqrt3A_262 = math.sqrt %max3A_261 : vector<1024x256xf32>
    %reduce_min3A_263 = arith.constant dense<0x7F800000> : vector<256xf32>
    %reduce_min3A_264 = vector.multi_reduction <minimumf>, %sqrt3A_262, %reduce_min3A_263 [0] : vector<1024x256xf32> to vector<256xf32>
    %broadcast_in_dim3A_265 = vector.shape_cast %reduce_min3A_264 : vector<256xf32> to vector<1x256xf32>
    %eq3A_266 = vector.broadcast %broadcast_in_dim3A_265 : vector<1x256xf32> to vector<1024x256xf32>
    %eq3A_267 = arith.cmpf oeq, %sqrt3A_262, %eq3A_266 : vector<1024x256xf32>
    %jit3A_268 = arith.constant 1.024000e+03 : f32
    %broadcast_in_dim3A_269 = vector.shape_cast %convert_element_type3A : vector<1024x1xf32> to vector<1024x1xf32>
    %broadcast_in_dim3A_270 = vector.broadcast %broadcast_in_dim3A_269 : vector<1024x1xf32> to vector<1024x256xf32>
    %broadcast_in_dim3A_271 = vector.broadcast %jit3A_268 : f32 to vector<1024x256xf32>
    %select_n3A_272 = arith.select %eq3A_267, %broadcast_in_dim3A_270, %broadcast_in_dim3A_271 : vector<1024x256xi1>, vector<1024x256xf32>
    %reduce_min3A_273 = arith.constant dense<0x7F800000> : vector<256xf32>
    %reduce_min3A_274 = vector.multi_reduction <minimumf>, %select_n3A_272, %reduce_min3A_273 [0] : vector<1024x256xf32> to vector<256xf32>
    %convert_element_type3A_275 = arith.fptosi %reduce_min3A_274 : vector<256xf32> to vector<256xi32>
    %swap3A_276 = arith.constant 0 : index
    %swap3A_277 = arith.constant 6 : index
    %swap3A_278 = arith.constant 0 : index
    %swap3A_279 = arith.constant 0 : index
    %swap3A_280 = vector.load %arg5[%swap3A_276, %swap3A_277, %swap3A_278, %swap3A_279] : memref<1x8x1x256xi32, #tpu.memory_space<vmem>>, vector<1x1x1x256xi32>
    %swap3A_281 = vector.shape_cast %swap3A_280 : vector<1x1x1x256xi32> to vector<256xi32>
    %swap3A_282 = vector.shape_cast %convert_element_type3A_275 : vector<256xi32> to vector<1x1x1x256xi32>
    tpu.vector_store %arg5[%swap3A_276, %swap3A_277, %swap3A_278, %swap3A_279], %swap3A_282 {strides = array<i32>} : memref<1x8x1x256xi32, #tpu.memory_space<vmem>>, vector<1x1x1x256xi32>,
    %get3A_283 = arith.constant 7 : index
    %get3A_284 = arith.constant 0 : index
    %get3A_285 = arith.constant 0 : index
    %get3A_286 = vector.load %arg3[%get3A_283, %get3A_284, %get3A_285] : memref<8x64x256xf32, #tpu.memory_space<vmem>>, vector<1x64x256xf32>
    %get3A_287 = vector.shape_cast %get3A_286 : vector<1x64x256xf32> to vector<64x256xf32>
    %dot_general3A_288 = arith.constant dense<0.000000e+00> : vector<1024x256xf32>
    %dot_general3A_289 = tpu.matmul %add3A, %get3A_287, %dot_general3A_288 {dimension_numbers = #tpu.dot_dimension_numbers<[1], [0], [0], [1], [0, 0, 1, 1], [], []>, transpose_lhs_hint = false} : vector<1024x64xf32>, vector<64x256xf32>, vector<1024x256xf32> -> vector<1024x256xf32>
    %get3A_290 = arith.constant 0 : index
    %get3A_291 = arith.constant 7 : index
    %get3A_292 = arith.constant 0 : index
    %get3A_293 = arith.constant 0 : index
    %get3A_294 = vector.load %arg4[%get3A_290, %get3A_291, %get3A_292, %get3A_293] : memref<1x8x1x256xf32, #tpu.memory_space<vmem>>, vector<1x1x1x256xf32>
    %get3A_295 = vector.shape_cast %get3A_294 : vector<1x1x1x256xf32> to vector<1x256xf32>
    %sub3A_296 = vector.broadcast %get3A_295 : vector<1x256xf32> to vector<1024x256xf32>
    %sub3A_297 = arith.subf %sub3A_296, %dot_general3A_289 : vector<1024x256xf32>
    %add3A_298 = vector.broadcast %broadcast_in_dim3A : vector<1024x1xf32> to vector<1024x256xf32>
    %add3A_299 = arith.addf %sub3A_297, %add3A_298 : vector<1024x256xf32>
    %max3A_300 = arith.constant 0.000000e+00 : f32
    %max3A_301 = vector.broadcast %max3A_300 : f32 to vector<1024x256xf32>
    %max3A_302 = arith.maximumf %add3A_299, %max3A_301 : vector<1024x256xf32>
    %sqrt3A_303 = math.sqrt %max3A_302 : vector<1024x256xf32>
    %reduce_min3A_304 = arith.constant dense<0x7F800000> : vector<256xf32>
    %reduce_min3A_305 = vector.multi_reduction <minimumf>, %sqrt3A_303, %reduce_min3A_304 [0] : vector<1024x256xf32> to vector<256xf32>
    %broadcast_in_dim3A_306 = vector.shape_cast %reduce_min3A_305 : vector<256xf32> to vector<1x256xf32>
    %eq3A_307 = vector.broadcast %broadcast_in_dim3A_306 : vector<1x256xf32> to vector<1024x256xf32>
    %eq3A_308 = arith.cmpf oeq, %sqrt3A_303, %eq3A_307 : vector<1024x256xf32>
    %jit3A_309 = arith.constant 1.024000e+03 : f32
    %broadcast_in_dim3A_310 = vector.shape_cast %convert_element_type3A : vector<1024x1xf32> to vector<1024x1xf32>
    %broadcast_in_dim3A_311 = vector.broadcast %broadcast_in_dim3A_310 : vector<1024x1xf32> to vector<1024x256xf32>
    %broadcast_in_dim3A_312 = vector.broadcast %jit3A_309 : f32 to vector<1024x256xf32>
    %select_n3A_313 = arith.select %eq3A_308, %broadcast_in_dim3A_311, %broadcast_in_dim3A_312 : vector<1024x256xi1>, vector<1024x256xf32>
    %reduce_min3A_314 = arith.constant dense<0x7F800000> : vector<256xf32>
    %reduce_min3A_315 = vector.multi_reduction <minimumf>, %select_n3A_313, %reduce_min3A_314 [0] : vector<1024x256xf32> to vector<256xf32>
    %convert_element_type3A_316 = arith.fptosi %reduce_min3A_315 : vector<256xf32> to vector<256xi32>
    %swap3A_317 = arith.constant 0 : index
    %swap3A_318 = arith.constant 7 : index
    %swap3A_319 = arith.constant 0 : index
    %swap3A_320 = arith.constant 0 : index
    %swap3A_321 = vector.load %arg5[%swap3A_317, %swap3A_318, %swap3A_319, %swap3A_320] : memref<1x8x1x256xi32, #tpu.memory_space<vmem>>, vector<1x1x1x256xi32>
    %swap3A_322 = vector.shape_cast %swap3A_321 : vector<1x1x1x256xi32> to vector<256xi32>
    %swap3A_323 = vector.shape_cast %convert_element_type3A_316 : vector<256xi32> to vector<1x1x1x256xi32>
    tpu.vector_store %arg5[%swap3A_317, %swap3A_318, %swap3A_319, %swap3A_320], %swap3A_323 {strides = array<i32>} : memref<1x8x1x256xi32, #tpu.memory_space<vmem>>, vector<1x1x1x256xi32>,
    return
  }
  func.func @transform_0(%arg0: i32, %arg1: i32) -> (i32, i32, i32) {
    %c0_i32 = arith.constant 0 : i32
    %c0_i32_0 = arith.constant 0 : i32
    %c0_i32_1 = arith.constant 0 : i32
    return %arg0, %c0_i32, %c0_i32_0 : i32, i32, i32
  }
  func.func @transform_1(%arg0: i32, %arg1: i32) -> (i32, i32, i32) {
    %c0_i32 = arith.constant 0 : i32
    %c0_i32_0 = arith.constant 0 : i32
    return %arg1, %arg0, %c0_i32 : i32, i32, i32
  }
  func.func @transform_2(%arg0: i32, %arg1: i32) -> (i32, i32, i32, i32) {
    %c0_i32 = arith.constant 0 : i32
    %c0_i32_0 = arith.constant 0 : i32
    %c0_i32_1 = arith.constant 0 : i32
    return %arg0, %arg1, %c0_i32, %c0_i32_0 : i32, i32, i32, i32
  }
  func.func @transform_3(%arg0: i32, %arg1: i32) -> (i32, i32, i32, i32) {
    %c0_i32 = arith.constant 0 : i32
    %c0_i32_0 = arith.constant 0 : i32
    %c0_i32_1 = arith.constant 0 : i32
    return %arg0, %arg1, %c0_i32, %c0_i32_0 : i32, i32, i32, i32
  }
}

</mosaic_0001>

<sc_bundles>
// kernel: kernel.4.cloned.1.call-start
scs
__scs_entry_jumppad:
0x0: {  	(pc) =	sbr.rel $0x88, $3  }
0x1: {  	(tag) =	ssettag $0x0;
	lr =	simm.s32 $0x1  }
0x2: {  	[smem:$0x3F9F] =	sst lr;
	_ =	strace $0xD0000000  }
0x3: {  	_ = 	snop  }
0x4: {  	_ = 	snop  }
0x5: {  	_ = 	snop  }
0x6: {  	_ = 	snop  }
0x7: {  	_ = 	snop  }
__scs_overlays_trampoline_lowered:
0x8: {  	[smem:$0x3FAE] =	sst s0  }
0x9: {  	[smem:$0x3FAF] =	sst s1  }
0xa: {  	[smem:$0x3FB0] =	sst s2  }
0xb: {  	[smem:$0x3FB1] =	sst s3  }
0xc: {  	[smem:$0x3FB2] =	sst s4  }
0xd: {  	[smem:$0x3FB3] =	sst s5  }
0xe: {  	[smem:$0x3FB4] =	sst s6  }
0xf: {  	[smem:$0x3FB5] =	sst s7  }
0x10: {  	[smem:$0x3FB6] =	sst s8  }
0x11: {  	[smem:$0x3FB7] =	sst s9;
	s0 =	simm.s32 @!p0 $0x0  }
0x12: {  	s1 =	sld [smem:$0x3F9D];
	s0 =	simm.s32 @p0 $0x1  }
0x13: {  	[smem:$0x3FB8] =	sst s0;
	s0 =	simm.s32 @!p1 $0x0  }
0x14: {  	s2 =	sld [smem:$0x3F9C];
	s0 =	simm.s32 @p1 $0x1  }
0x15: {  	[smem:$0x3FB9] =	sst s0;
	s0 =	simm.s32 @!p2 $0x0  }
0x16: {  	s3 =	sld [smem:$0x3FDB];
	s0 =	simm.s32 @p2 $0x1  }
0x17: {  	s4 =	simm.s32 $0x1BF5;
	[smem:$0x3FBB] =	sst s0  }
0x18: {  	s0 =	sld [smem:$0x3F9E];
	_ =	swait.ge [sflag:s4], $0x0  }
0x19: {  	s7 =	sld [smem:$0x3F9F]  }
0x1a: {  	s8 =	sadd.s32 $0xFFFFE003, lr  }
0x1b: {  	s9 =	sadd.s32 $0xFFFFFEF7, lr;
	s5 =	simm.s32 $0xFFFFFFFF;
	p2 =	slt.u32 s8, $0xFFFFF086  }
0x1c: {  	p1 =	slt.u32 s9, $0xF7A;
	s5 =	simm.s32 @!p2 $0x0  }
0x1d: {  	s5 =	simm.s32 @p1 $0x1;
	p0 =	seq.s32 s7, s2  }
0x1e: {  	s7 =	smul.u32 @!p0 $0xF7A, s2;
	p2 =	seq.s32 @!p0 s5, $0x0  }
0x1f: {  	s9 =	smul.u32 $0xF7A, s1;
	s8 =	simm.s32 @!p0 $0x1BF5;
	p2 =	por !p2, p0  }
0x20: {  	[sflag:s8] =	ssyncset.s32 @!p0 $0xFFFFF086;
	s6 =	sadd.s32 @!p0 s3, s7;
	s7 =	simm.s32 @!p0 $0x108  }
0x21: {  	s3 =	sadd.s32 s3, s9;
	s6 =	sadd.s32 @!p0 $0x88, s6;
	s7 =	simm.s32 @p2 $0x1082  }
0x22: {  	[simem:s7], [sflag:s8] =	dma.local @!p0 [hbm:s6], $0xF7A  }
0x23: {  	s9 =	sor.u32 $0xD0000000, s2;
	s6 =	simm.s32 $0x108;
	_ =	swait.ge @!p0 [sflag:s8], $0x0  }
0x24: {  	s3 =	sadd.s32 $0x88, s3;
	s6 =	simm.s32 @!p1 $0x1082;
	[sflag:s4] =	ssyncset.s32 $0xFFFFF086  }
0x25: {  	[simem:s6], [sflag:s4] =	dma.local [hbm:s3], $0xF7A  }
0x26: {  	[smem:$0x3F9F] =	sst s1;
	(tag) =	ssettag s2;
	_ =	strace s9  }
0x27: {  	s1 =	sld [smem:$0x3FAF]  }
0x28: {  	s2 =	sld [smem:$0x3FB0]  }
0x29: {  	s4 =	sld [smem:$0x3FB2]  }
0x2a: {  	p0 =	seq.s32 s5, $0x0;
	s5 =	sld [smem:$0x3FB3]  }
0x2b: {  	s6 =	sld [smem:$0x3FB4]  }
0x2c: {  	s7 =	sld [smem:$0x3FB5]  }
0x2d: {  	s3 =	simm.s32 $0x108;
	s8 =	sld [smem:$0x3FB6]  }
0x2e: {  	s3 =	simm.s32 @!p0 $0x1082;
	s9 =	sld [smem:$0x3FB7]  }
0x2f: {  	lr =	sadd.s32 s0, s3;
	s0 =	sld [smem:$0x3FAE]  }
0x30: {  	s3 =	sld [smem:$0x3FB1]  }
0x31: {  	[smem:$0x3FBA] =	sst s10  }
0x32: {  	s10 =	sld [smem:$0x3FB8];
	_ =	sdelay $0x3  }
0x33: {  	p0 =	seq.s32 s10, $0x1;
	s10 =	sld [smem:$0x3FBA];
	_ =	sdelay $0x3  }
0x34: {  	[smem:$0x3FBA] =	sst s10  }
0x35: {  	s10 =	sld [smem:$0x3FB9];
	_ =	sdelay $0x3  }
0x36: {  	p1 =	seq.s32 s10, $0x1;
	s10 =	sld [smem:$0x3FBA];
	_ =	sdelay $0x3  }
0x37: {  	[smem:$0x3FBA] =	sst s10  }
0x38: {  	s10 =	sld [smem:$0x3FBB]  }
0x39: {  	_ = 	snop;
	(pc) =	sbr.ind lr, $3  }
0x3a: {  	_ = 	snop  }
0x3b: {  	_ = 	snop  }
0x3c: {  	p2 =	seq.s32 s10, $0x1;
	s10 =	sld [smem:$0x3FBA]  }
0x3d: {  	_ =	shalt  }
0x3e: {  	_ =	shalt  }
0x3f: {  	_ =	shalt  }
0x40: {  	_ =	shalt  }
0x41: {  	_ =	shalt  }
0x42: {  	_ =	shalt  }
0x43: {  	_ =	shalt  }
0x44: {  	_ =	shalt  }
0x45: {  	_ =	shalt  }
0x46: {  	_ =	shalt  }
0x47: {  	_ =	shalt  }
0x48: {  	_ =	shalt  }
0x49: {  	_ =	shalt  }
0x4a: {  	_ =	shalt  }
0x4b: {  	_ =	shalt  }
0x4c: {  	_ =	shalt  }
0x4d: {  	_ =	shalt  }
0x4e: {  	_ =	shalt  }
0x4f: {  	_ =	shalt  }
0x50: {  	_ =	shalt  }
0x51: {  	_ =	shalt  }
0x52: {  	_ =	shalt  }
0x53: {  	_ =	shalt  }
0x54: {  	_ =	shalt  }
0x55: {  	_ =	shalt  }
0x56: {  	_ =	shalt  }
0x57: {  	_ =	shalt  }
0x58: {  	_ =	shalt  }
0x59: {  	_ =	shalt  }
0x5a: {  	_ =	shalt  }
0x5b: {  	_ =	shalt  }
0x5c: {  	_ =	shalt  }
0x5d: {  	_ =	shalt  }
0x5e: {  	_ =	shalt  }
0x5f: {  	_ =	shalt  }
0x60: {  	_ =	shalt  }
0x61: {  	_ =	shalt  }
0x62: {  	_ =	shalt  }
0x63: {  	_ =	shalt  }
0x64: {  	_ =	shalt  }
0x65: {  	_ =	shalt  }
0x66: {  	_ =	shalt  }
0x67: {  	_ =	shalt  }
0x68: {  	_ =	shalt  }
0x69: {  	_ =	shalt  }
0x6a: {  	_ =	shalt  }
0x6b: {  	_ =	shalt  }
0x6c: {  	_ =	shalt  }
0x6d: {  	_ =	shalt  }
0x6e: {  	_ =	shalt  }
0x6f: {  	_ =	shalt  }
0x70: {  	_ =	shalt  }
0x71: {  	_ =	shalt  }
0x72: {  	_ =	shalt  }
0x73: {  	_ =	shalt  }
0x74: {  	_ =	shalt  }
0x75: {  	_ =	shalt  }
0x76: {  	_ =	shalt  }
0x77: {  	_ =	shalt  }
0x78: {  	_ =	shalt  }
0x79: {  	_ =	shalt  }
0x7a: {  	_ =	shalt  }
0x7b: {  	_ =	shalt  }
0x7c: {  	_ =	shalt  }
0x7d: {  	_ =	shalt  }
0x7e: {  	_ =	shalt  }
0x7f: {  	_ =	shalt  }
0x80: {  	_ =	shalt  }
0x81: {  	_ =	shalt  }
0x82: {  	_ =	shalt  }
0x83: {  	_ =	shalt  }
0x84: {  	_ =	shalt  }
0x85: {  	_ =	shalt  }
0x86: {  	_ =	shalt  }
0x87: {  	_ =	shalt  }
.Lfunc_end0:
.L_simem_size_0:
called_computation_lowered:
.L_overlay_start_0:
0x88: {  	s2 =	sld [smem:$0x3FD9]  }
0x89: {  	s3 =	sld [smem:$0x3FFE];
	_ =	sdelay $0x1  }
0x8a: {  	s1 =	srdreg.scid  }
0x8b: {  	s0 =	sand.u32 $0x1, s1  }
0x8c: {  	s14 =	sshll.u32 s0, $0xA;
	s2 =	sadd.s32 s3, s2  }
0x8d: {  	s2 =	sadd.s32 s2, s14  }
0x8e: {  	[smem:$0x3FC6] =	sst s2  }
0x8f: {  	_ = 	snop  }
0x90: {  	s2 =	sld [smem:$0x3FD0];
	_ =	sdelay $0x2  }
0x91: {  	s15 =	simm.s32 $0xA;
	s4 =	simm.s32 $0x10  }
0x92: {  	[smem:s4], [sflag:s15] =	dma.local [hbm:s2], $0x1  }
0x93: {  	_ =	swait.eq [sflag:s15], $0x1  }
0x94: {  	[sflag:s15] =	ssyncset.done $0x0  }
0x95: {  	[sflag:s15] =	ssyncadd.s32 $0xFFFFFFFF  }
0x96: {  	s16 =	sld [smem:$0x10];
	(tm) =	ssettm $0x1  }
0x97: {  	s17 =	sld [smem:$0x3FFB];
	_ =	sdelay $0x3  }
0x98: {  	_ =	strace s17  }
0x99: {  	s3 =	sld [smem:$0x3FFC];
	_ =	sdelay $0x3  }
0x9a: {  	_ =	strace s3  }
0x9b: {  	s3 =	sld [smem:$0x3FFD];
	_ =	sdelay $0x3  }
0x9c: {  	_ =	strace s3  }
0x9d: {  	_ =	strace $0x8FFFFFFF  }
0x9e: {  	s18 =	sld [smem:$0x3FDB];
	_ =	sdelay $0x1  }
0x9f: {  	s19 =	simm.s32 $_scs_section_size  }
0xa0: {  	s5 =	simm.s32 $_size__tile_overlayer_lowered;
	s6 =	simm.s32 $_tile_overlayer_lowered  }
0xa1: {  	s22 =	simm.s32 $0x1BFF;
	s21 =	sshll.u32 s6, $0x1;
	s3 =	sadd.s32 s19, s18  }
0xa2: {  	s7 =	simm.s32 $0x0;
	s20 =	sshll.u32 s5, $0x1;
	s5 =	sadd.s32 s21, s3  }
0xa3: {  	[timem:s7], [sflag:s22] =	dma.local [hbm:s5], s20  }
0xa4: {  	_ =	swait.ge [sflag:s22], s20  }
0xa5: {  	s4 =	ssub.s32 $0x0, s20;
	[sflag:s22] =	ssyncset.done $0x0  }
0xa6: {  	[sflag:s22] =	ssyncadd.s32 s4;
	_ =	sdelay $0x1  }
0xa7: {  	s23 =	simm.s32 $0x1B8B  }
0xa8: {  	_ =	swait.ge [sflag:s23], $0x1  }
0xa9: {  	[sflag:s23] =	ssyncset.done $0x0  }
0xaa: {  	s25 =	simm.s32 $0x1B8E;
	s24 =	sld [smem:$0x3FFE];
	[sflag:s23] =	ssyncadd.s32 $0xFFFFFFFF  }
0xab: {  	s26 =	simm.s32 $execute0_lowered;
	[smem:$0x3FD2] =	sst s25  }
0xac: {  	s5 =	sshll.u32 s26, $0x1;
	_ =	strace $0x80000046;
	[dreg:$0x1] =	wrdreg $0xFFFFFFFF  }
0xad: {  	s28 =	simm.s32 $_size_execute0_lowered;
	s3 =	sadd.s32 s3, s5;
	[dreg:$0x0] =	wrdreg $0x0  }
0xae: {  	s5 =	sshll.u32 s28, $0x1;
	[dreg:$0x2] =	wrdreg s3  }
0xaf: {  	[dreg:$0x3] =	wrdreg s5  }
0xb0: {  	[dreg:$0x4] =	wrdreg $0xC0  }
0xb1: {  	_ =	task [dreg:s7], $0x5FFFF  }
0xb2: {  	[dreg:$0x1] =	wrdreg $0xFFFFFFFF  }
0xb3: {  	[dreg:$0x0] =	wrdreg $0x60  }
0xb4: {  	[dreg:$0x2] =	wrdreg s16  }
0xb5: {  	[dreg:$0x3] =	wrdreg s24  }
0xb6: {  	[dreg:$0x4] =	wrdreg $0x9  }
0xb7: {  	_ =	task.clear_ibuf [dreg:s7], $0x5FFFF;
	_ =	strace $0x90000046  }
0xb8: {  	s29 =	simm.s32 $0x9;
	_ =	strace $0x80000048  }
0xb9: {  	_ =	swait.ge [sflag:s29], $0x1  }
0xba: {  	[sflag:s29] =	ssyncadd.s32 $0xFFFFFFFF  }
0xbb: {  	_ =	strace $0x90000048  }
0xbc: {  	_ =	sfence  }
0xbd: {  	s30 =	sld [smem:$0x0];
	_ =	sdelay $0x2  }
0xbe: {  	s31 =	sshll.u32 s1, $0xD;
	s1 =	sshrl.u32 s1, $0x2  }
0xbf: {  	s3 =	sand.u32 $0x4000, s31;
	s1 =	sadd.s32 s1, s30  }
0xc0: {  	s0 =	sor.u32 s3, s0;
	s1 =	sshll.u32 s1, $0x11  }
0xc1: {  	s0 =	sor.u32 s1, s0  }
0xc2: {  	s0 =	sadd.s32 $0x8F2B, s0  }
0xc3: {  	[sflag:s0] =	ssyncadd.remote.s32 $0x1  }
0xc4: {  	_ =	sfence.sel $0xFFFF  }
0xc5: {  	[dreg:$0x0] =	wrdreg $0xFFFFFFFF;
	(pc) =	sbr.abs _section_cstart, $3  }
0xc6: {  	[dreg:$0x1] =	wrdreg $0xFFFFFFFF  }
0xc7: {  	_ =	task.clear_ibuf [dreg:s7], $0x2FFFF;
	_ =	strace $0x9FFFFFFF  }
0xc8: {  	(tm) =	ssettm $0x7FFFFFFF  }
0xc9: {  	_ =	shalt  }
tec
execute0_lowered:
.L_overlay_start_1:
0x0: {  	(tag) =	ssettag $0x1  }
0x1: {  	s1 =	srdreg.scid  }
0x2: {  	s2 =	rddreg [dreg:$0x0];
	s0 =	stileid.u32;
	s23 =	sand.u32 $0x1, s1  }
0x3: {  	s22 =	rddreg [dreg:$0x1];
	s4 =	sshll.u32 s0, $0xB;
	s5 =	sshll.u32 s23, $0xA  }
0x4: {  	s3 =	simm.s32 $0x0;
	s1 =	rddreg [dreg:$0x2];
	s24 =	sor.u32 s5, s4  }
0x5: {  	[smem:$0x7FF] =	sst s3;
	s4 =	sshrl.u32 s24, $0x3  }
0x6: {  	_ =	strace $0x80000047;
	s5 =	sadd.s32 s22, s4;
	s4 =	simm.s32 $0x2  }
0x7: {  	[tilespmem:s3], [sflag:$0x2] =	stream.linear.gather [hbm4b:s5+s3], $0x400, $0x38;
	[tilespmem:$0x10400] =	vst v63  }
0x8: {  	_ =	swait.ge [sflag:s4], $0x400  }
0x9: {  	[sflag:s4] =	ssyncset.done $0x0  }
0xa: {  	s6 =	simm.s32 $0x80;
	s7 =	simm.s32 $0x400;
	[sflag:s4] =	ssyncadd.s32 $0xFFFFFC00  }
0xb: {  	[tilespmem:s7], [sflag:$0x1] =	stream.indirect.gather [hbm4b:s2+s6], $0x40, s3, s6, $0xb8;
	[tilespmem:$0x10400] =	vst v63  }
0xc: {  	s8 =	simm.s32 $0x2400  }
0xd: {  	[tilespmem:s8], [sflag:$0x1] =	stream.indirect.gather [hbm4b:s2+s6], $0x40, s6, s6, $0xb8;
	[tilespmem:$0x10400] =	vst v63  }
0xe: {  	s9 =	simm.s32 $0x100;
	s10 =	simm.s32 $0x4400  }
0xf: {  	[tilespmem:s10], [sflag:$0x1] =	stream.indirect.gather [hbm4b:s2+s6], $0x40, s9, s6, $0xb8;
	[tilespmem:$0x10400] =	vst v63  }
0x10: {  	s11 =	simm.s32 $0x180;
	s12 =	simm.s32 $0x6400  }
0x11: {  	[tilespmem:s12], [sflag:$0x1] =	stream.indirect.gather [hbm4b:s2+s6], $0x40, s11, s6, $0xb8;
	[tilespmem:$0x10400] =	vst v63  }
0x12: {  	s13 =	simm.s32 $0x200;
	s14 =	simm.s32 $0x8400  }
0x13: {  	[tilespmem:s14], [sflag:$0x1] =	stream.indirect.gather [hbm4b:s2+s6], $0x40, s13, s6, $0xb8;
	[tilespmem:$0x10400] =	vst v63  }
0x14: {  	s15 =	simm.s32 $0x280;
	s16 =	simm.s32 $0xA400  }
0x15: {  	[tilespmem:s16], [sflag:$0x1] =	stream.indirect.gather [hbm4b:s2+s6], $0x40, s15, s6, $0xb8;
	[tilespmem:$0x10400] =	vst v63  }
0x16: {  	s17 =	simm.s32 $0x300;
	s18 =	simm.s32 $0xC400  }
0x17: {  	[tilespmem:s18], [sflag:$0x1] =	stream.indirect.gather [hbm4b:s2+s6], $0x40, s17, s6, $0xb8;
	[tilespmem:$0x10400] =	vst v63  }
0x18: {  	s19 =	simm.s32 $0x380;
	s20 =	simm.s32 $0xE400;
	s21 =	simm.s32 $0x1  }
0x19: {  	[tilespmem:s20], [sflag:$0x1] =	stream.indirect.gather [hbm4b:s2+s6], $0x40, s19, s6, $0xb8;
	[tilespmem:$0x10400] =	vst v63  }
0x1a: {  	_ =	swait.ge [sflag:s21], $0x2000  }
0x1b: {  	[sflag:s21] =	ssyncset.done $0x0  }
0x1c: {  	[sflag:s21] =	ssyncadd.s32 $0xFFFFE000  }
0x1d: {  	_ =	swait.ge [sflag:s21], $0x2000  }
0x1e: {  	[sflag:s21] =	ssyncset.done $0x0  }
0x1f: {  	[sflag:s21] =	ssyncadd.s32 $0xFFFFE000  }
0x20: {  	_ =	swait.ge [sflag:s21], $0x2000  }
0x21: {  	[sflag:s21] =	ssyncset.done $0x0  }
0x22: {  	[sflag:s21] =	ssyncadd.s32 $0xFFFFE000  }
0x23: {  	_ =	swait.ge [sflag:s21], $0x2000  }
0x24: {  	[sflag:s21] =	ssyncset.done $0x0  }
0x25: {  	[sflag:s21] =	ssyncadd.s32 $0xFFFFE000  }
0x26: {  	_ =	swait.ge [sflag:s21], $0x2000  }
0x27: {  	[sflag:s21] =	ssyncset.done $0x0  }
0x28: {  	[sflag:s21] =	ssyncadd.s32 $0xFFFFE000  }
0x29: {  	_ =	swait.ge [sflag:s21], $0x2000  }
0x2a: {  	[sflag:s21] =	ssyncset.done $0x0  }
0x2b: {  	s23 =	ssub.s32 $0x2, s23;
	[sflag:s21] =	ssyncadd.s32 $0xFFFFE000  }
0x2c: {  	s25 =	sshrl.u32 s23, $0x1;
	_ =	swait.ge [sflag:s21], $0x2000  }
0x2d: {  	s23 =	ssub.s32 s23, s25;
	[sflag:s21] =	ssyncset.done $0x0  }
0x2e: {  	s23 =	smax.u32 s23, $0x1;
	[sflag:s21] =	ssyncadd.s32 $0xFFFFE000  }
0x2f: {  	s24 =	sshll.u32 s24, $0x3;
	p0 =	sne.s32 s23, $0x1;
	_ =	swait.ge [sflag:s21], $0x2000  }
.Ltmp0:
0x30: {  	s22 =	sadd.s32 s24, s22;
	[sflag:s21] =	ssyncset.done $0x0;
	(pc) =	sbr.rel @!p0 .LBB2_2-.Ltmp0, $4  }
0x31: {  	s22 =	sadd.s32 $0x1000, s22;
	[sflag:s21] =	ssyncadd.s32 $0xFFFFE000  }
0x32: {  	[hbm4b:s22+s3] =	stream.linear.scatter [tilespmem:s7], [sflag:$0x2], $0x10000, $0x38;
	[tilespmem:$0x10400] =	vst v63  }
0x33: {  	_ =	swait.ge [sflag:s4], $0x10000  }
0x34: {  	s23 =	sadd.s32 $0xFFFFFFFF, s23;
	[sflag:s4] =	ssyncset.done $0x0  }
.LBB2_1:
0x35: {  	p0 =	sne.s32 s23, $0x1;
	s23 =	sadd.s32 $0xFFFFFFFF, s23;
	[sflag:s4] =	ssyncadd.s32 $0xFFFF0000  }
0x36: {  	[tilespmem:s3], [sflag:$0x2] =	stream.linear.gather [hbm4b:s5+s3], $0x400, $0x38;
	[tilespmem:$0x10400] =	vst v63  }
0x37: {  	_ =	swait.ge [sflag:s4], $0x400  }
0x38: {  	[sflag:s4] =	ssyncset.done $0x0  }
0x39: {  	[sflag:s4] =	ssyncadd.s32 $0xFFFFFC00  }
0x3a: {  	[tilespmem:s7], [sflag:$0x1] =	stream.indirect.gather [hbm4b:s2+s6], $0x40, s3, s6, $0xb8;
	[tilespmem:$0x10400] =	vst v63  }
0x3b: {  	_ = 	snop  }
0x3c: {  	[tilespmem:s8], [sflag:$0x1] =	stream.indirect.gather [hbm4b:s2+s6], $0x40, s6, s6, $0xb8;
	[tilespmem:$0x10400] =	vst v63  }
0x3d: {  	_ = 	snop  }
0x3e: {  	[tilespmem:s10], [sflag:$0x1] =	stream.indirect.gather [hbm4b:s2+s6], $0x40, s9, s6, $0xb8;
	[tilespmem:$0x10400] =	vst v63  }
0x3f: {  	_ = 	snop  }
0x40: {  	[tilespmem:s12], [sflag:$0x1] =	stream.indirect.gather [hbm4b:s2+s6], $0x40, s11, s6, $0xb8;
	[tilespmem:$0x10400] =	vst v63  }
0x41: {  	_ = 	snop  }
0x42: {  	[tilespmem:s14], [sflag:$0x1] =	stream.indirect.gather [hbm4b:s2+s6], $0x40, s13, s6, $0xb8;
	[tilespmem:$0x10400] =	vst v63  }
0x43: {  	_ = 	snop  }
0x44: {  	[tilespmem:s16], [sflag:$0x1] =	stream.indirect.gather [hbm4b:s2+s6], $0x40, s15, s6, $0xb8;
	[tilespmem:$0x10400] =	vst v63  }
0x45: {  	_ = 	snop  }
0x46: {  	[tilespmem:s18], [sflag:$0x1] =	stream.indirect.gather [hbm4b:s2+s6], $0x40, s17, s6, $0xb8;
	[tilespmem:$0x10400] =	vst v63  }
0x47: {  	_ = 	snop  }
0x48: {  	[tilespmem:s20], [sflag:$0x1] =	stream.indirect.gather [hbm4b:s2+s6], $0x40, s19, s6, $0xb8;
	[tilespmem:$0x10400] =	vst v63  }
0x49: {  	_ =	swait.ge [sflag:s21], $0x2000  }
0x4a: {  	[sflag:s21] =	ssyncset.done $0x0  }
0x4b: {  	[sflag:s21] =	ssyncadd.s32 $0xFFFFE000  }
0x4c: {  	_ =	swait.ge [sflag:s21], $0x2000  }
0x4d: {  	[sflag:s21] =	ssyncset.done $0x0  }
0x4e: {  	[sflag:s21] =	ssyncadd.s32 $0xFFFFE000  }
0x4f: {  	_ =	swait.ge [sflag:s21], $0x2000  }
0x50: {  	[sflag:s21] =	ssyncset.done $0x0  }
0x51: {  	[sflag:s21] =	ssyncadd.s32 $0xFFFFE000  }
0x52: {  	_ =	swait.ge [sflag:s21], $0x2000  }
0x53: {  	[sflag:s21] =	ssyncset.done $0x0  }
0x54: {  	[sflag:s21] =	ssyncadd.s32 $0xFFFFE000  }
0x55: {  	_ =	swait.ge [sflag:s21], $0x2000  }
0x56: {  	[sflag:s21] =	ssyncset.done $0x0  }
0x57: {  	[sflag:s21] =	ssyncadd.s32 $0xFFFFE000  }
0x58: {  	_ =	swait.ge [sflag:s21], $0x2000  }
0x59: {  	[sflag:s21] =	ssyncset.done $0x0  }
0x5a: {  	[sflag:s21] =	ssyncadd.s32 $0xFFFFE000  }
0x5b: {  	_ =	swait.ge [sflag:s21], $0x2000  }
0x5c: {  	[sflag:s21] =	ssyncset.done $0x0  }
0x5d: {  	[sflag:s21] =	ssyncadd.s32 $0xFFFFE000  }
0x5e: {  	_ =	swait.ge [sflag:s21], $0x2000  }
.Ltmp1:
0x5f: {  	[sflag:s21] =	ssyncset.done $0x0;
	(pc) =	sbr.rel @p0 .LBB2_1-.Ltmp1, $4  }
0x60: {  	[sflag:s21] =	ssyncadd.s32 $0xFFFFE000  }
0x61: {  	[hbm4b:s22+s3] =	stream.linear.scatter [tilespmem:s7], [sflag:$0x2], $0x10000, $0x38;
	[tilespmem:$0x10400] =	vst v63  }
0x62: {  	_ =	swait.ge [sflag:s4], $0x10000  }
0x63: {  	[sflag:s4] =	ssyncset.done $0x0  }
.LBB2_2:
0x64: {  	[sflag:s4] =	ssyncadd.s32 $0xFFFF0000  }
0x65: {  	_ =	sfence.sel $0x180000  }
0x66: {  	[bflag:$0x0] =	sbarrier.arrive $0xFFFF  }
0x67: {  	p0 =	sne.s32 s0, $0x0;
	_ =	strace $0x90000047  }
0x68: {  	s0 =	sadd.s32 @!p0 $0x100000, s1;
	[bflag:$0x2] =	sbarrier.arrive $0xFFFF  }
0x69: {  	[sflag:s0] =	ssyncadd.tile.s32 @!p0 $0x1;
	_ =	shalt  }
.Lfunc_end2:
_tile_overlayer_lowered:
.L_overlay_start_2:
0x6a: {  	(tag) =	ssettag $0x2  }
0x6b: {  	s0 =	rddreg [dreg:$0x0];
	s2 =	stileid.u32  }
0x6c: {  	s1 =	rddreg [dreg:$0x1];
	p0 =	sne.s32 s2, $0x0  }
0x6d: {  	s3 =	rddreg [dreg:$0x2];
	[bflag:$0x3] =	sbarrier.arrive $0xFFFF;
	s2 =	simm.s32 @!p0 $0x1C02  }
0x6e: {  	[timem:s3], [sflag:s2] =	dma.local @!p0 [hbm:s0], s1  }
0x6f: {  	s0 =	simm.s32 @!p0 $0x2  }
0x70: {  	_ =	swait.ge @!p0 [sflag:s0], s1  }
0x71: {  	s1 =	ssub.s32 @!p0 $0x0, s1;
	[sflag:s0] =	ssyncset.done @!p0 $0x0  }
0x72: {  	[sflag:s0] =	ssyncadd.s32 @!p0 s1  }
0x73: {  	[bflag:$0x3] =	sbarrier.arrive $0xFFFF  }
0x74: {  	_ =	shalt  }

</sc_bundles>
